<compile_context>
chip_gen: v7x
topology: tpu7x:2x2x1
jax: 0.10.2.dev20260603
libtpu: 0.0.44.dev20260713+nightly
codegen_flags: <defaults>
</compile_context>

<pallas_src>
import functools

import jax
import jax.numpy as jnp
from jax import lax
from jax.experimental import pallas as pl
from jax.experimental.pallas import tpu as pltpu
from jax.experimental.pallas import tpu_sc as plsc

_NC = 2
_NS = 16
_NW = _NC * _NS
_CHUNK = 128
_NBUF = 5


@jax.jit
def _embedding_gather(idx, weight):
    n_chunks = idx.shape[1]
    D = weight.shape[1]
    R = _NW * n_chunks * _CHUNK
    rows_per_w = n_chunks * _CHUNK
    mesh = plsc.VectorSubcoreMesh(core_axis_name="c", subcore_axis_name="s")

    @functools.partial(
        pl.kernel,
        mesh=mesh,
        out_type=jax.ShapeDtypeStruct((R, D), jnp.float32),
        scratch_types=[
            pltpu.VMEM((n_chunks, _CHUNK), jnp.int32),
            pltpu.VMEM((_NBUF, _CHUNK, D), jnp.float32),
            pltpu.SemaphoreType.DMA((_NBUF,)),
            pltpu.SemaphoreType.DMA((_NBUF,)),
        ],
    )
    def k(idx_hbm, table_hbm, out_hbm, idx_v, rows_v, gsem, ssem):
        wid = lax.axis_index("s") * _NC + lax.axis_index("c")
        base = wid * rows_per_w

        pltpu.sync_copy(idx_hbm.at[wid], idx_v)

        def gather(j, b):
            pltpu.async_copy(table_hbm.at[idx_v.at[j]], rows_v.at[b], gsem.at[b])

        def gather_wait(j, b):
            pltpu.make_async_copy(
                table_hbm.at[idx_v.at[j]], rows_v.at[b], gsem.at[b]
            ).wait()

        def scatter(j, b):
            pltpu.async_copy(
                rows_v.at[b], out_hbm.at[pl.ds(base + j * _CHUNK, _CHUNK)], ssem.at[b]
            )

        def scatter_wait(b):
            pltpu.make_async_copy(
                rows_v.at[b], out_hbm.at[pl.ds(base, _CHUNK)], ssem.at[b]
            ).wait()

        for b in range(_NBUF - 1):
            gather(b, b)

        @pl.loop(0, n_chunks, step=_NBUF)
        def _(j0):
            for b in range(_NBUF):
                j = j0 + b
                pb = (b - 1) % _NBUF
                gather_wait(j, b)
                scatter(j, b)
                @pl.when(j > 0)
                def _():
                    scatter_wait(pb)

                @pl.when(j + _NBUF - 1 < n_chunks)
                def _():
                    gather(j + _NBUF - 1, pb)

        scatter_wait((n_chunks - 1) % _NBUF)

    return k(idx, weight)


def kernel(input_ids, weight):
    B, H = input_ids.shape
    D = weight.shape[1]
    idxt = input_ids.T.astype(jnp.int32).reshape(_NW, -1, _CHUNK)
    out = _embedding_gather(idxt, weight)
    return out.reshape(H, B, D).transpose(1, 0, 2)

# --- scband reference (transcript-rebuilt; emitter-appended) ---
"""Pipeline reference for scband-vocab-parallel-embedding-23828478558361 (READ-ONLY COPY).

The authoritative reference and input builder live on the scoring server;
editing this copy changes nothing except your own understanding.
"""

import jax, jax.numpy as jnp
import numpy as np

VOCAB = 100000
EMBED_DIM = 128
BATCH = 4096
HIST = 50

# Single-shard simulation: tp_world_size=1 -> vocab_start_idx=0, local_num_embeddings=VOCAB,
# and the all-reduce over a 1-member group is the identity.

def setup_inputs(seed: int = 0) -> dict:
    key = jax.random.key(seed)
    k1, k2 = jax.random.split(key)
    input_ids = jax.random.randint(k1, (BATCH, HIST), 0, VOCAB, dtype=jnp.int64)
    weight = jax.random.normal(k2, (VOCAB, EMBED_DIM), dtype=jnp.float32) * 0.02
    return {"input_ids": input_ids, "weight": weight}


def reference(input_ids, weight):
    vocab_start_idx = 0
    local_num_embeddings = weight.shape[0]
    vocab_end_idx = vocab_start_idx + local_num_embeddings
    local_mask = (input_ids >= vocab_start_idx) & (input_ids < vocab_end_idx)
    local_ids = input_ids - vocab_start_idx
    clamped_local_ids = jnp.clip(local_ids, 0, local_num_embeddings - 1)
    local_output = jnp.take(weight, clamped_local_ids, axis=0)
    local_output = local_output * local_mask.astype(jnp.float32)[..., None]
    # DifferentiableAllReduce over a world-size-1 group is the identity.
    return local_output

if __name__ == "__main__":
    import jax
    _d = setup_inputs()
    print(jax.jit(kernel)(*tuple(_d.values())))

</pallas_src>

<mosaic_0001>
#map = affine_map<(d0, d1) -> (0, 0, 0)>
#map1 = affine_map<(d0, d1) -> (0, 0)>
module attributes {stable_mosaic.version = 14 : i64} {
  func.func @k(%arg0: i32, %arg1: i32, %arg2: memref<32x50x128xi32, #tpu.memory_space<hbm>>, %arg3: memref<100000x128xf32, #tpu.memory_space<hbm>>, %arg4: memref<204800x128xf32, #tpu.memory_space<hbm>>, %arg5: memref<50x128xi32, #tpu.memory_space<vmem>>, %arg6: memref<5x128x128xf32, #tpu.memory_space<vmem>>, %arg7: memref<5x!tpu.dma_semaphore, #tpu.memory_space<semaphore_mem>>, %arg8: memref<5x!tpu.dma_semaphore, #tpu.memory_space<semaphore_mem>>) attributes {dimension_semantics = [#tpu.dimension_semantics<core_parallel>, #tpu.dimension_semantics<subcore_parallel>], iteration_bounds = array<i64: 2, 16>, scalar_prefetch = 0 : i64, scratch_operands = 4 : i64, tpu.core_type = #tpu.core_type<sc_vector_subcore>, window_params = [{transform_indices = #map}, {transform_indices = #map1}, {transform_indices = #map1}]} {
    %mul3A = arith.constant 2 : i32
    %mul3A_0 = arith.muli %arg1, %mul3A : i32
    %add3A = arith.addi %mul3A_0, %arg0 : i32
    %mul3A_1 = arith.constant 6400 : i32
    %mul3A_2 = arith.muli %add3A, %mul3A_1 : i32
    "tpu.region"() ({
      %run_scoped3A = tpu.sem_alloc : memref<!tpu.dma_semaphore, #tpu.memory_space<semaphore_mem>>
      %dma_start3A_81 = arith.constant 0 : i32
      %dma_start3A_82 = arith.constant 0 : i32
      %dma_start3A_83 = tpu.memref_slice %arg2[%add3A, %dma_start3A_81, %dma_start3A_82] : memref<32x50x128xi32, #tpu.memory_space<hbm>> -> memref<1x50x128xi32, #tpu.memory_space<hbm>>
      %dma_start3A_84 = tpu.memref_squeeze %dma_start3A_83 : memref<1x50x128xi32, #tpu.memory_space<hbm>> -> memref<50x128xi32, #tpu.memory_space<hbm>>
      %dma_start3A_85 = arith.constant 0 : i32
      %dma_start3A_86 = arith.constant 0 : i32
      %dma_start3A_87 = tpu.memref_slice %arg2[%add3A, %dma_start3A_85, %dma_start3A_86] : memref<32x50x128xi32, #tpu.memory_space<hbm>> -> memref<1x50x128xi32, #tpu.memory_space<hbm>>
      %dma_start3A_88 = tpu.memref_squeeze %dma_start3A_87 : memref<1x50x128xi32, #tpu.memory_space<hbm>> -> memref<50x128xi32, #tpu.memory_space<hbm>>
      tpu.enqueue_dma source(%dma_start3A_88 : memref<50x128xi32, #tpu.memory_space<hbm>>) target(%arg5 : memref<50x128xi32, #tpu.memory_space<vmem>>) target_semaphore(%run_scoped3A : memref<!tpu.dma_semaphore, #tpu.memory_space<semaphore_mem>>)
      %dma_wait3A_89 = arith.constant 0 : i32
      %dma_wait3A_90 = arith.constant 0 : i32
      %dma_wait3A_91 = tpu.memref_slice %arg2[%add3A, %dma_wait3A_89, %dma_wait3A_90] : memref<32x50x128xi32, #tpu.memory_space<hbm>> -> memref<1x50x128xi32, #tpu.memory_space<hbm>>
      %dma_wait3A_92 = tpu.memref_squeeze %dma_wait3A_91 : memref<1x50x128xi32, #tpu.memory_space<hbm>> -> memref<50x128xi32, #tpu.memory_space<hbm>>
      %dma_wait3A_93 = arith.constant 0 : i32
      %dma_wait3A_94 = arith.constant 0 : i32
      %dma_wait3A_95 = tpu.memref_slice %arg2[%add3A, %dma_wait3A_93, %dma_wait3A_94] : memref<32x50x128xi32, #tpu.memory_space<hbm>> -> memref<1x50x128xi32, #tpu.memory_space<hbm>>
      %dma_wait3A_96 = tpu.memref_squeeze %dma_wait3A_95 : memref<1x50x128xi32, #tpu.memory_space<hbm>> -> memref<50x128xi32, #tpu.memory_space<hbm>>
      tpu.wait_dma2 semaphore(%run_scoped3A : memref<!tpu.dma_semaphore, #tpu.memory_space<semaphore_mem>>) src(%dma_wait3A_96 : memref<50x128xi32, #tpu.memory_space<hbm>>) dst(%arg5 : memref<50x128xi32, #tpu.memory_space<vmem>>)
      tpu.yield
    }) : () -> ()
    %dma_start3A = arith.constant 0 : i32
    %dma_start3A_3 = arith.constant 0 : i32
    %dma_start3A_4 = arith.constant 0 : i32
    %dma_start3A_5 = arith.constant 0 : i32
    %dma_start3A_6 = arith.constant 0 : i32
    %dma_start3A_7 = tpu.memref_slice %arg6[%dma_start3A_3, %dma_start3A_5, %dma_start3A_6] : memref<5x128x128xf32, #tpu.memory_space<vmem>> -> memref<1x128x128xf32, #tpu.memory_space<vmem>>
    %dma_start3A_8 = tpu.memref_squeeze %dma_start3A_7 : memref<1x128x128xf32, #tpu.memory_space<vmem>> -> memref<128x128xf32, #tpu.memory_space<vmem>>
    %dma_start3A_9 = arith.constant 0 : i32
    %dma_start3A_10 = tpu.memref_slice %arg5[%dma_start3A, %dma_start3A_9] : memref<50x128xi32, #tpu.memory_space<vmem>> -> memref<1x128xi32, #tpu.memory_space<vmem>>
    %dma_start3A_11 = tpu.memref_squeeze %dma_start3A_10 : memref<1x128xi32, #tpu.memory_space<vmem>> -> memref<128xi32, #tpu.memory_space<vmem>>
    %dma_start3A_12 = arith.constant 0 : i32
    %dma_start3A_13 = arith.constant 0 : i32
    %dma_start3A_14 = tpu.memref_slice %arg3[%dma_start3A_12, %dma_start3A_13] : memref<100000x128xf32, #tpu.memory_space<hbm>> -> memref<100000x128xf32, #tpu.memory_space<hbm>>
    %dma_start3A_15 = tpu.memref_slice %arg7[%dma_start3A_4] : memref<5x!tpu.dma_semaphore, #tpu.memory_space<semaphore_mem>> -> memref<1x!tpu.dma_semaphore, #tpu.memory_space<semaphore_mem>>
    %dma_start3A_16 = tpu.memref_squeeze %dma_start3A_15 : memref<1x!tpu.dma_semaphore, #tpu.memory_space<semaphore_mem>> -> memref<!tpu.dma_semaphore, #tpu.memory_space<semaphore_mem>>
    tpu.enqueue_indirect_dma source(%dma_start3A_14 : memref<100000x128xf32, #tpu.memory_space<hbm>>) target(%dma_start3A_8 : memref<128x128xf32, #tpu.memory_space<vmem>>) offsets(%dma_start3A_11 : memref<128xi32, #tpu.memory_space<vmem>>) semaphore(%dma_start3A_16 : memref<!tpu.dma_semaphore, #tpu.memory_space<semaphore_mem>>)
    %dma_start3A_17 = arith.constant 1 : i32
    %dma_start3A_18 = arith.constant 1 : i32
    %dma_start3A_19 = arith.constant 1 : i32
    %dma_start3A_20 = arith.constant 0 : i32
    %dma_start3A_21 = arith.constant 0 : i32
    %dma_start3A_22 = tpu.memref_slice %arg6[%dma_start3A_18, %dma_start3A_20, %dma_start3A_21] : memref<5x128x128xf32, #tpu.memory_space<vmem>> -> memref<1x128x128xf32, #tpu.memory_space<vmem>>
    %dma_start3A_23 = tpu.memref_squeeze %dma_start3A_22 : memref<1x128x128xf32, #tpu.memory_space<vmem>> -> memref<128x128xf32, #tpu.memory_space<vmem>>
    %dma_start3A_24 = arith.constant 0 : i32
    %dma_start3A_25 = tpu.memref_slice %arg5[%dma_start3A_17, %dma_start3A_24] : memref<50x128xi32, #tpu.memory_space<vmem>> -> memref<1x128xi32, #tpu.memory_space<vmem>>
    %dma_start3A_26 = tpu.memref_squeeze %dma_start3A_25 : memref<1x128xi32, #tpu.memory_space<vmem>> -> memref<128xi32, #tpu.memory_space<vmem>>
    %dma_start3A_27 = arith.constant 0 : i32
    %dma_start3A_28 = arith.constant 0 : i32
    %dma_start3A_29 = tpu.memref_slice %arg3[%dma_start3A_27, %dma_start3A_28] : memref<100000x128xf32, #tpu.memory_space<hbm>> -> memref<100000x128xf32, #tpu.memory_space<hbm>>
    %dma_start3A_30 = tpu.memref_slice %arg7[%dma_start3A_19] : memref<5x!tpu.dma_semaphore, #tpu.memory_space<semaphore_mem>> -> memref<1x!tpu.dma_semaphore, #tpu.memory_space<semaphore_mem>>
    %dma_start3A_31 = tpu.memref_squeeze %dma_start3A_30 : memref<1x!tpu.dma_semaphore, #tpu.memory_space<semaphore_mem>> -> memref<!tpu.dma_semaphore, #tpu.memory_space<semaphore_mem>>
    tpu.enqueue_indirect_dma source(%dma_start3A_29 : memref<100000x128xf32, #tpu.memory_space<hbm>>) target(%dma_start3A_23 : memref<128x128xf32, #tpu.memory_space<vmem>>) offsets(%dma_start3A_26 : memref<128xi32, #tpu.memory_space<vmem>>) semaphore(%dma_start3A_31 : memref<!tpu.dma_semaphore, #tpu.memory_space<semaphore_mem>>)
    %dma_start3A_32 = arith.constant 2 : i32
    %dma_start3A_33 = arith.constant 2 : i32
    %dma_start3A_34 = arith.constant 2 : i32
    %dma_start3A_35 = arith.constant 0 : i32
    %dma_start3A_36 = arith.constant 0 : i32
    %dma_start3A_37 = tpu.memref_slice %arg6[%dma_start3A_33, %dma_start3A_35, %dma_start3A_36] : memref<5x128x128xf32, #tpu.memory_space<vmem>> -> memref<1x128x128xf32, #tpu.memory_space<vmem>>
    %dma_start3A_38 = tpu.memref_squeeze %dma_start3A_37 : memref<1x128x128xf32, #tpu.memory_space<vmem>> -> memref<128x128xf32, #tpu.memory_space<vmem>>
    %dma_start3A_39 = arith.constant 0 : i32
    %dma_start3A_40 = tpu.memref_slice %arg5[%dma_start3A_32, %dma_start3A_39] : memref<50x128xi32, #tpu.memory_space<vmem>> -> memref<1x128xi32, #tpu.memory_space<vmem>>
    %dma_start3A_41 = tpu.memref_squeeze %dma_start3A_40 : memref<1x128xi32, #tpu.memory_space<vmem>> -> memref<128xi32, #tpu.memory_space<vmem>>
    %dma_start3A_42 = arith.constant 0 : i32
    %dma_start3A_43 = arith.constant 0 : i32
    %dma_start3A_44 = tpu.memref_slice %arg3[%dma_start3A_42, %dma_start3A_43] : memref<100000x128xf32, #tpu.memory_space<hbm>> -> memref<100000x128xf32, #tpu.memory_space<hbm>>
    %dma_start3A_45 = tpu.memref_slice %arg7[%dma_start3A_34] : memref<5x!tpu.dma_semaphore, #tpu.memory_space<semaphore_mem>> -> memref<1x!tpu.dma_semaphore, #tpu.memory_space<semaphore_mem>>
    %dma_start3A_46 = tpu.memref_squeeze %dma_start3A_45 : memref<1x!tpu.dma_semaphore, #tpu.memory_space<semaphore_mem>> -> memref<!tpu.dma_semaphore, #tpu.memory_space<semaphore_mem>>
    tpu.enqueue_indirect_dma source(%dma_start3A_44 : memref<100000x128xf32, #tpu.memory_space<hbm>>) target(%dma_start3A_38 : memref<128x128xf32, #tpu.memory_space<vmem>>) offsets(%dma_start3A_41 : memref<128xi32, #tpu.memory_space<vmem>>) semaphore(%dma_start3A_46 : memref<!tpu.dma_semaphore, #tpu.memory_space<semaphore_mem>>)
    %dma_start3A_47 = arith.constant 3 : i32
    %dma_start3A_48 = arith.constant 3 : i32
    %dma_start3A_49 = arith.constant 3 : i32
    %dma_start3A_50 = arith.constant 0 : i32
    %dma_start3A_51 = arith.constant 0 : i32
    %dma_start3A_52 = tpu.memref_slice %arg6[%dma_start3A_48, %dma_start3A_50, %dma_start3A_51] : memref<5x128x128xf32, #tpu.memory_space<vmem>> -> memref<1x128x128xf32, #tpu.memory_space<vmem>>
    %dma_start3A_53 = tpu.memref_squeeze %dma_start3A_52 : memref<1x128x128xf32, #tpu.memory_space<vmem>> -> memref<128x128xf32, #tpu.memory_space<vmem>>
    %dma_start3A_54 = arith.constant 0 : i32
    %dma_start3A_55 = tpu.memref_slice %arg5[%dma_start3A_47, %dma_start3A_54] : memref<50x128xi32, #tpu.memory_space<vmem>> -> memref<1x128xi32, #tpu.memory_space<vmem>>
    %dma_start3A_56 = tpu.memref_squeeze %dma_start3A_55 : memref<1x128xi32, #tpu.memory_space<vmem>> -> memref<128xi32, #tpu.memory_space<vmem>>
    %dma_start3A_57 = arith.constant 0 : i32
    %dma_start3A_58 = arith.constant 0 : i32
    %dma_start3A_59 = tpu.memref_slice %arg3[%dma_start3A_57, %dma_start3A_58] : memref<100000x128xf32, #tpu.memory_space<hbm>> -> memref<100000x128xf32, #tpu.memory_space<hbm>>
    %dma_start3A_60 = tpu.memref_slice %arg7[%dma_start3A_49] : memref<5x!tpu.dma_semaphore, #tpu.memory_space<semaphore_mem>> -> memref<1x!tpu.dma_semaphore, #tpu.memory_space<semaphore_mem>>
    %dma_start3A_61 = tpu.memref_squeeze %dma_start3A_60 : memref<1x!tpu.dma_semaphore, #tpu.memory_space<semaphore_mem>> -> memref<!tpu.dma_semaphore, #tpu.memory_space<semaphore_mem>>
    tpu.enqueue_indirect_dma source(%dma_start3A_59 : memref<100000x128xf32, #tpu.memory_space<hbm>>) target(%dma_start3A_53 : memref<128x128xf32, #tpu.memory_space<vmem>>) offsets(%dma_start3A_56 : memref<128xi32, #tpu.memory_space<vmem>>) semaphore(%dma_start3A_61 : memref<!tpu.dma_semaphore, #tpu.memory_space<semaphore_mem>>)
    %scan3A = arith.constant 0 : i32
    %scan3A_62 = arith.constant 10 : i32
    %scan3A_63 = arith.addi %scan3A, %scan3A_62 : i32
    %scan3A_64 = arith.constant 1 : i32
    scf.for %scan3A_81 = %scan3A to %scan3A_63 step %scan3A_64  : i32 {
      %mul3A_82 = arith.constant 5 : i32
      %mul3A_83 = arith.muli %scan3A_81, %mul3A_82 : i32
      %add3A_84 = arith.constant 0 : i32
      %add3A_85 = arith.addi %add3A_84, %mul3A_83 : i32
      %add3A_86 = arith.constant 0 : i32
      %add3A_87 = arith.addi %add3A_85, %add3A_86 : i32
      %dma_wait3A_88 = arith.constant 0 : i32
      %dma_wait3A_89 = arith.constant 0 : i32
      %dma_wait3A_90 = arith.constant 0 : i32
      %dma_wait3A_91 = arith.constant 0 : i32
      %dma_wait3A_92 = tpu.memref_slice %arg6[%dma_wait3A_88, %dma_wait3A_90, %dma_wait3A_91] : memref<5x128x128xf32, #tpu.memory_space<vmem>> -> memref<1x128x128xf32, #tpu.memory_space<vmem>>
      %dma_wait3A_93 = tpu.memref_squeeze %dma_wait3A_92 : memref<1x128x128xf32, #tpu.memory_space<vmem>> -> memref<128x128xf32, #tpu.memory_space<vmem>>
      %dma_wait3A_94 = arith.constant 0 : i32
      %dma_wait3A_95 = tpu.memref_slice %arg5[%add3A_87, %dma_wait3A_94] : memref<50x128xi32, #tpu.memory_space<vmem>> -> memref<1x128xi32, #tpu.memory_space<vmem>>
      %dma_wait3A_96 = tpu.memref_squeeze %dma_wait3A_95 : memref<1x128xi32, #tpu.memory_space<vmem>> -> memref<128xi32, #tpu.memory_space<vmem>>
      %dma_wait3A_97 = arith.constant 0 : i32
      %dma_wait3A_98 = arith.constant 0 : i32
      %dma_wait3A_99 = tpu.memref_slice %arg3[%dma_wait3A_97, %dma_wait3A_98] : memref<100000x128xf32, #tpu.memory_space<hbm>> -> memref<100000x128xf32, #tpu.memory_space<hbm>>
      %dma_wait3A_100 = tpu.memref_slice %arg7[%dma_wait3A_89] : memref<5x!tpu.dma_semaphore, #tpu.memory_space<semaphore_mem>> -> memref<1x!tpu.dma_semaphore, #tpu.memory_space<semaphore_mem>>
      %dma_wait3A_101 = tpu.memref_squeeze %dma_wait3A_100 : memref<1x!tpu.dma_semaphore, #tpu.memory_space<semaphore_mem>> -> memref<!tpu.dma_semaphore, #tpu.memory_space<semaphore_mem>>
      tpu.wait_indirect_dma semaphore(%dma_wait3A_101 : memref<!tpu.dma_semaphore, #tpu.memory_space<semaphore_mem>>) src(%dma_wait3A_99 : memref<100000x128xf32, #tpu.memory_space<hbm>>) dst(%dma_wait3A_93 : memref<128x128xf32, #tpu.memory_space<vmem>>)
      %mul3A_102 = arith.constant 128 : i32
      %mul3A_103 = arith.muli %add3A_87, %mul3A_102 : i32
      %add3A_104 = arith.addi %mul3A_2, %mul3A_103 : i32
      %dma_start3A_105 = arith.constant 0 : i32
      %dma_start3A_106 = arith.constant 0 : i32
      %dma_start3A_107 = arith.constant 0 : i32
      %dma_start3A_108 = arith.constant 0 : i32
      %dma_start3A_109 = tpu.memref_slice %arg6[%dma_start3A_105, %dma_start3A_107, %dma_start3A_108] : memref<5x128x128xf32, #tpu.memory_space<vmem>> -> memref<1x128x128xf32, #tpu.memory_space<vmem>>
      %dma_start3A_110 = tpu.memref_squeeze %dma_start3A_109 : memref<1x128x128xf32, #tpu.memory_space<vmem>> -> memref<128x128xf32, #tpu.memory_space<vmem>>
      %dma_start3A_111 = arith.constant 0 : i32
      %dma_start3A_112 = tpu.memref_slice %arg4[%add3A_104, %dma_start3A_111] : memref<204800x128xf32, #tpu.memory_space<hbm>> -> memref<128x128xf32, #tpu.memory_space<hbm>>
      %dma_start3A_113 = tpu.memref_slice %arg8[%dma_start3A_106] : memref<5x!tpu.dma_semaphore, #tpu.memory_space<semaphore_mem>> -> memref<1x!tpu.dma_semaphore, #tpu.memory_space<semaphore_mem>>
      %dma_start3A_114 = tpu.memref_squeeze %dma_start3A_113 : memref<1x!tpu.dma_semaphore, #tpu.memory_space<semaphore_mem>> -> memref<!tpu.dma_semaphore, #tpu.memory_space<semaphore_mem>>
      %dma_start3A_115 = arith.constant 0 : i32
      %dma_start3A_116 = tpu.memref_slice %arg4[%add3A_104, %dma_start3A_115] : memref<204800x128xf32, #tpu.memory_space<hbm>> -> memref<128x128xf32, #tpu.memory_space<hbm>>
      %dma_start3A_117 = arith.constant 0 : i32
      %dma_start3A_118 = arith.constant 0 : i32
      %dma_start3A_119 = tpu.memref_slice %arg6[%dma_start3A_105, %dma_start3A_117, %dma_start3A_118] : memref<5x128x128xf32, #tpu.memory_space<vmem>> -> memref<1x128x128xf32, #tpu.memory_space<vmem>>
      %dma_start3A_120 = tpu.memref_squeeze %dma_start3A_119 : memref<1x128x128xf32, #tpu.memory_space<vmem>> -> memref<128x128xf32, #tpu.memory_space<vmem>>
      tpu.enqueue_dma source(%dma_start3A_120 : memref<128x128xf32, #tpu.memory_space<vmem>>) target(%dma_start3A_116 : memref<128x128xf32, #tpu.memory_space<hbm>>) target_semaphore(%dma_start3A_114 : memref<!tpu.dma_semaphore, #tpu.memory_space<semaphore_mem>>)
      %gt3A = arith.constant 0 : i32
      %gt3A_121 = arith.cmpi sgt, %add3A_87, %gt3A : i32
      %convert_element_type3A = arith.extui %gt3A_121 : i1 to i32
      %cond3A = arith.constant 0 : i32
      %cond3A_122 = arith.cmpi ne, %convert_element_type3A, %cond3A : i32
      scf.if %cond3A_122 {
        %dma_wait3A_326 = arith.constant 4 : i32
        %dma_wait3A_327 = arith.constant 4 : i32
        %dma_wait3A_328 = arith.constant 0 : i32
        %dma_wait3A_329 = arith.constant 0 : i32
        %dma_wait3A_330 = tpu.memref_slice %arg6[%dma_wait3A_326, %dma_wait3A_328, %dma_wait3A_329] : memref<5x128x128xf32, #tpu.memory_space<vmem>> -> memref<1x128x128xf32, #tpu.memory_space<vmem>>
        %dma_wait3A_331 = tpu.memref_squeeze %dma_wait3A_330 : memref<1x128x128xf32, #tpu.memory_space<vmem>> -> memref<128x128xf32, #tpu.memory_space<vmem>>
        %dma_wait3A_332 = arith.constant 0 : i32
        %dma_wait3A_333 = tpu.memref_slice %arg4[%mul3A_2, %dma_wait3A_332] : memref<204800x128xf32, #tpu.memory_space<hbm>> -> memref<128x128xf32, #tpu.memory_space<hbm>>
        %dma_wait3A_334 = tpu.memref_slice %arg8[%dma_wait3A_327] : memref<5x!tpu.dma_semaphore, #tpu.memory_space<semaphore_mem>> -> memref<1x!tpu.dma_semaphore, #tpu.memory_space<semaphore_mem>>
        %dma_wait3A_335 = tpu.memref_squeeze %dma_wait3A_334 : memref<1x!tpu.dma_semaphore, #tpu.memory_space<semaphore_mem>> -> memref<!tpu.dma_semaphore, #tpu.memory_space<semaphore_mem>>
        %dma_wait3A_336 = arith.constant 0 : i32
        %dma_wait3A_337 = tpu.memref_slice %arg4[%mul3A_2, %dma_wait3A_336] : memref<204800x128xf32, #tpu.memory_space<hbm>> -> memref<128x128xf32, #tpu.memory_space<hbm>>
        %dma_wait3A_338 = arith.constant 0 : i32
        %dma_wait3A_339 = arith.constant 0 : i32
        %dma_wait3A_340 = tpu.memref_slice %arg6[%dma_wait3A_326, %dma_wait3A_338, %dma_wait3A_339] : memref<5x128x128xf32, #tpu.memory_space<vmem>> -> memref<1x128x128xf32, #tpu.memory_space<vmem>>
        %dma_wait3A_341 = tpu.memref_squeeze %dma_wait3A_340 : memref<1x128x128xf32, #tpu.memory_space<vmem>> -> memref<128x128xf32, #tpu.memory_space<vmem>>
        tpu.wait_dma2 semaphore(%dma_wait3A_335 : memref<!tpu.dma_semaphore, #tpu.memory_space<semaphore_mem>>) src(%dma_wait3A_341 : memref<128x128xf32, #tpu.memory_space<vmem>>) dst(%dma_wait3A_337 : memref<128x128xf32, #tpu.memory_space<hbm>>)
      } else {
      }
      %add3A_123 = arith.constant 5 : i32
      %add3A_124 = arith.addi %add3A_87, %add3A_123 : i32
      %sub3A = arith.constant 1 : i32
      %sub3A_125 = arith.subi %add3A_124, %sub3A : i32
      %lt3A = arith.constant 50 : i32
      %lt3A_126 = arith.cmpi slt, %sub3A_125, %lt3A : i32
      %convert_element_type3A_127 = arith.extui %lt3A_126 : i1 to i32
      %cond3A_128 = arith.constant 0 : i32
      %cond3A_129 = arith.cmpi ne, %convert_element_type3A_127, %cond3A_128 : i32
      scf.if %cond3A_129 {
        %add3A_326 = arith.constant 5 : i32
        %add3A_327 = arith.addi %add3A_87, %add3A_326 : i32
        %sub3A_328 = arith.constant 1 : i32
        %sub3A_329 = arith.subi %add3A_327, %sub3A_328 : i32
        %dma_start3A_330 = arith.constant 4 : i32
        %dma_start3A_331 = arith.constant 4 : i32
        %dma_start3A_332 = arith.constant 0 : i32
        %dma_start3A_333 = arith.constant 0 : i32
        %dma_start3A_334 = tpu.memref_slice %arg6[%dma_start3A_330, %dma_start3A_332, %dma_start3A_333] : memref<5x128x128xf32, #tpu.memory_space<vmem>> -> memref<1x128x128xf32, #tpu.memory_space<vmem>>
        %dma_start3A_335 = tpu.memref_squeeze %dma_start3A_334 : memref<1x128x128xf32, #tpu.memory_space<vmem>> -> memref<128x128xf32, #tpu.memory_space<vmem>>
        %dma_start3A_336 = arith.constant 0 : i32
        %dma_start3A_337 = tpu.memref_slice %arg5[%sub3A_329, %dma_start3A_336] : memref<50x128xi32, #tpu.memory_space<vmem>> -> memref<1x128xi32, #tpu.memory_space<vmem>>
        %dma_start3A_338 = tpu.memref_squeeze %dma_start3A_337 : memref<1x128xi32, #tpu.memory_space<vmem>> -> memref<128xi32, #tpu.memory_space<vmem>>
        %dma_start3A_339 = arith.constant 0 : i32
        %dma_start3A_340 = arith.constant 0 : i32
        %dma_start3A_341 = tpu.memref_slice %arg3[%dma_start3A_339, %dma_start3A_340] : memref<100000x128xf32, #tpu.memory_space<hbm>> -> memref<100000x128xf32, #tpu.memory_space<hbm>>
        %dma_start3A_342 = tpu.memref_slice %arg7[%dma_start3A_331] : memref<5x!tpu.dma_semaphore, #tpu.memory_space<semaphore_mem>> -> memref<1x!tpu.dma_semaphore, #tpu.memory_space<semaphore_mem>>
        %dma_start3A_343 = tpu.memref_squeeze %dma_start3A_342 : memref<1x!tpu.dma_semaphore, #tpu.memory_space<semaphore_mem>> -> memref<!tpu.dma_semaphore, #tpu.memory_space<semaphore_mem>>
        tpu.enqueue_indirect_dma source(%dma_start3A_341 : memref<100000x128xf32, #tpu.memory_space<hbm>>) target(%dma_start3A_335 : memref<128x128xf32, #tpu.memory_space<vmem>>) offsets(%dma_start3A_338 : memref<128xi32, #tpu.memory_space<vmem>>) semaphore(%dma_start3A_343 : memref<!tpu.dma_semaphore, #tpu.memory_space<semaphore_mem>>)
      } else {
      }
      %add3A_130 = arith.constant 1 : i32
      %add3A_131 = arith.addi %add3A_85, %add3A_130 : i32
      %dma_wait3A_132 = arith.constant 1 : i32
      %dma_wait3A_133 = arith.constant 1 : i32
      %dma_wait3A_134 = arith.constant 0 : i32
      %dma_wait3A_135 = arith.constant 0 : i32
      %dma_wait3A_136 = tpu.memref_slice %arg6[%dma_wait3A_132, %dma_wait3A_134, %dma_wait3A_135] : memref<5x128x128xf32, #tpu.memory_space<vmem>> -> memref<1x128x128xf32, #tpu.memory_space<vmem>>
      %dma_wait3A_137 = tpu.memref_squeeze %dma_wait3A_136 : memref<1x128x128xf32, #tpu.memory_space<vmem>> -> memref<128x128xf32, #tpu.memory_space<vmem>>
      %dma_wait3A_138 = arith.constant 0 : i32
      %dma_wait3A_139 = tpu.memref_slice %arg5[%add3A_131, %dma_wait3A_138] : memref<50x128xi32, #tpu.memory_space<vmem>> -> memref<1x128xi32, #tpu.memory_space<vmem>>
      %dma_wait3A_140 = tpu.memref_squeeze %dma_wait3A_139 : memref<1x128xi32, #tpu.memory_space<vmem>> -> memref<128xi32, #tpu.memory_space<vmem>>
      %dma_wait3A_141 = arith.constant 0 : i32
      %dma_wait3A_142 = arith.constant 0 : i32
      %dma_wait3A_143 = tpu.memref_slice %arg3[%dma_wait3A_141, %dma_wait3A_142] : memref<100000x128xf32, #tpu.memory_space<hbm>> -> memref<100000x128xf32, #tpu.memory_space<hbm>>
      %dma_wait3A_144 = tpu.memref_slice %arg7[%dma_wait3A_133] : memref<5x!tpu.dma_semaphore, #tpu.memory_space<semaphore_mem>> -> memref<1x!tpu.dma_semaphore, #tpu.memory_space<semaphore_mem>>
      %dma_wait3A_145 = tpu.memref_squeeze %dma_wait3A_144 : memref<1x!tpu.dma_semaphore, #tpu.memory_space<semaphore_mem>> -> memref<!tpu.dma_semaphore, #tpu.memory_space<semaphore_mem>>
      tpu.wait_indirect_dma semaphore(%dma_wait3A_145 : memref<!tpu.dma_semaphore, #tpu.memory_space<semaphore_mem>>) src(%dma_wait3A_143 : memref<100000x128xf32, #tpu.memory_space<hbm>>) dst(%dma_wait3A_137 : memref<128x128xf32, #tpu.memory_space<vmem>>)
      %mul3A_146 = arith.constant 128 : i32
      %mul3A_147 = arith.muli %add3A_131, %mul3A_146 : i32
      %add3A_148 = arith.addi %mul3A_2, %mul3A_147 : i32
      %dma_start3A_149 = arith.constant 1 : i32
      %dma_start3A_150 = arith.constant 1 : i32
      %dma_start3A_151 = arith.constant 0 : i32
      %dma_start3A_152 = arith.constant 0 : i32
      %dma_start3A_153 = tpu.memref_slice %arg6[%dma_start3A_149, %dma_start3A_151, %dma_start3A_152] : memref<5x128x128xf32, #tpu.memory_space<vmem>> -> memref<1x128x128xf32, #tpu.memory_space<vmem>>
      %dma_start3A_154 = tpu.memref_squeeze %dma_start3A_153 : memref<1x128x128xf32, #tpu.memory_space<vmem>> -> memref<128x128xf32, #tpu.memory_space<vmem>>
      %dma_start3A_155 = arith.constant 0 : i32
      %dma_start3A_156 = tpu.memref_slice %arg4[%add3A_148, %dma_start3A_155] : memref<204800x128xf32, #tpu.memory_space<hbm>> -> memref<128x128xf32, #tpu.memory_space<hbm>>
      %dma_start3A_157 = tpu.memref_slice %arg8[%dma_start3A_150] : memref<5x!tpu.dma_semaphore, #tpu.memory_space<semaphore_mem>> -> memref<1x!tpu.dma_semaphore, #tpu.memory_space<semaphore_mem>>
      %dma_start3A_158 = tpu.memref_squeeze %dma_start3A_157 : memref<1x!tpu.dma_semaphore, #tpu.memory_space<semaphore_mem>> -> memref<!tpu.dma_semaphore, #tpu.memory_space<semaphore_mem>>
      %dma_start3A_159 = arith.constant 0 : i32
      %dma_start3A_160 = tpu.memref_slice %arg4[%add3A_148, %dma_start3A_159] : memref<204800x128xf32, #tpu.memory_space<hbm>> -> memref<128x128xf32, #tpu.memory_space<hbm>>
      %dma_start3A_161 = arith.constant 0 : i32
      %dma_start3A_162 = arith.constant 0 : i32
      %dma_start3A_163 = tpu.memref_slice %arg6[%dma_start3A_149, %dma_start3A_161, %dma_start3A_162] : memref<5x128x128xf32, #tpu.memory_space<vmem>> -> memref<1x128x128xf32, #tpu.memory_space<vmem>>
      %dma_start3A_164 = tpu.memref_squeeze %dma_start3A_163 : memref<1x128x128xf32, #tpu.memory_space<vmem>> -> memref<128x128xf32, #tpu.memory_space<vmem>>
      tpu.enqueue_dma source(%dma_start3A_164 : memref<128x128xf32, #tpu.memory_space<vmem>>) target(%dma_start3A_160 : memref<128x128xf32, #tpu.memory_space<hbm>>) target_semaphore(%dma_start3A_158 : memref<!tpu.dma_semaphore, #tpu.memory_space<semaphore_mem>>)
      %gt3A_165 = arith.constant 0 : i32
      %gt3A_166 = arith.cmpi sgt, %add3A_131, %gt3A_165 : i32
      %convert_element_type3A_167 = arith.extui %gt3A_166 : i1 to i32
      %cond3A_168 = arith.constant 0 : i32
      %cond3A_169 = arith.cmpi ne, %convert_element_type3A_167, %cond3A_168 : i32
      scf.if %cond3A_169 {
        %dma_wait3A_326 = arith.constant 0 : i32
        %dma_wait3A_327 = arith.constant 0 : i32
        %dma_wait3A_328 = arith.constant 0 : i32
        %dma_wait3A_329 = arith.constant 0 : i32
        %dma_wait3A_330 = tpu.memref_slice %arg6[%dma_wait3A_326, %dma_wait3A_328, %dma_wait3A_329] : memref<5x128x128xf32, #tpu.memory_space<vmem>> -> memref<1x128x128xf32, #tpu.memory_space<vmem>>
        %dma_wait3A_331 = tpu.memref_squeeze %dma_wait3A_330 : memref<1x128x128xf32, #tpu.memory_space<vmem>> -> memref<128x128xf32, #tpu.memory_space<vmem>>
        %dma_wait3A_332 = arith.constant 0 : i32
        %dma_wait3A_333 = tpu.memref_slice %arg4[%mul3A_2, %dma_wait3A_332] : memref<204800x128xf32, #tpu.memory_space<hbm>> -> memref<128x128xf32, #tpu.memory_space<hbm>>
        %dma_wait3A_334 = tpu.memref_slice %arg8[%dma_wait3A_327] : memref<5x!tpu.dma_semaphore, #tpu.memory_space<semaphore_mem>> -> memref<1x!tpu.dma_semaphore, #tpu.memory_space<semaphore_mem>>
        %dma_wait3A_335 = tpu.memref_squeeze %dma_wait3A_334 : memref<1x!tpu.dma_semaphore, #tpu.memory_space<semaphore_mem>> -> memref<!tpu.dma_semaphore, #tpu.memory_space<semaphore_mem>>
        %dma_wait3A_336 = arith.constant 0 : i32
        %dma_wait3A_337 = tpu.memref_slice %arg4[%mul3A_2, %dma_wait3A_336] : memref<204800x128xf32, #tpu.memory_space<hbm>> -> memref<128x128xf32, #tpu.memory_space<hbm>>
        %dma_wait3A_338 = arith.constant 0 : i32
        %dma_wait3A_339 = arith.constant 0 : i32
        %dma_wait3A_340 = tpu.memref_slice %arg6[%dma_wait3A_326, %dma_wait3A_338, %dma_wait3A_339] : memref<5x128x128xf32, #tpu.memory_space<vmem>> -> memref<1x128x128xf32, #tpu.memory_space<vmem>>
        %dma_wait3A_341 = tpu.memref_squeeze %dma_wait3A_340 : memref<1x128x128xf32, #tpu.memory_space<vmem>> -> memref<128x128xf32, #tpu.memory_space<vmem>>
        tpu.wait_dma2 semaphore(%dma_wait3A_335 : memref<!tpu.dma_semaphore, #tpu.memory_space<semaphore_mem>>) src(%dma_wait3A_341 : memref<128x128xf32, #tpu.memory_space<vmem>>) dst(%dma_wait3A_337 : memref<128x128xf32, #tpu.memory_space<hbm>>)
      } else {
      }
      %add3A_170 = arith.constant 5 : i32
      %add3A_171 = arith.addi %add3A_131, %add3A_170 : i32
      %sub3A_172 = arith.constant 1 : i32
      %sub3A_173 = arith.subi %add3A_171, %sub3A_172 : i32
      %lt3A_174 = arith.constant 50 : i32
      %lt3A_175 = arith.cmpi slt, %sub3A_173, %lt3A_174 : i32
      %convert_element_type3A_176 = arith.extui %lt3A_175 : i1 to i32
      %cond3A_177 = arith.constant 0 : i32
      %cond3A_178 = arith.cmpi ne, %convert_element_type3A_176, %cond3A_177 : i32
      scf.if %cond3A_178 {
        %add3A_326 = arith.constant 5 : i32
        %add3A_327 = arith.addi %add3A_131, %add3A_326 : i32
        %sub3A_328 = arith.constant 1 : i32
        %sub3A_329 = arith.subi %add3A_327, %sub3A_328 : i32
        %dma_start3A_330 = arith.constant 0 : i32
        %dma_start3A_331 = arith.constant 0 : i32
        %dma_start3A_332 = arith.constant 0 : i32
        %dma_start3A_333 = arith.constant 0 : i32
        %dma_start3A_334 = tpu.memref_slice %arg6[%dma_start3A_330, %dma_start3A_332, %dma_start3A_333] : memref<5x128x128xf32, #tpu.memory_space<vmem>> -> memref<1x128x128xf32, #tpu.memory_space<vmem>>
        %dma_start3A_335 = tpu.memref_squeeze %dma_start3A_334 : memref<1x128x128xf32, #tpu.memory_space<vmem>> -> memref<128x128xf32, #tpu.memory_space<vmem>>
        %dma_start3A_336 = arith.constant 0 : i32
        %dma_start3A_337 = tpu.memref_slice %arg5[%sub3A_329, %dma_start3A_336] : memref<50x128xi32, #tpu.memory_space<vmem>> -> memref<1x128xi32, #tpu.memory_space<vmem>>
        %dma_start3A_338 = tpu.memref_squeeze %dma_start3A_337 : memref<1x128xi32, #tpu.memory_space<vmem>> -> memref<128xi32, #tpu.memory_space<vmem>>
        %dma_start3A_339 = arith.constant 0 : i32
        %dma_start3A_340 = arith.constant 0 : i32
        %dma_start3A_341 = tpu.memref_slice %arg3[%dma_start3A_339, %dma_start3A_340] : memref<100000x128xf32, #tpu.memory_space<hbm>> -> memref<100000x128xf32, #tpu.memory_space<hbm>>
        %dma_start3A_342 = tpu.memref_slice %arg7[%dma_start3A_331] : memref<5x!tpu.dma_semaphore, #tpu.memory_space<semaphore_mem>> -> memref<1x!tpu.dma_semaphore, #tpu.memory_space<semaphore_mem>>
        %dma_start3A_343 = tpu.memref_squeeze %dma_start3A_342 : memref<1x!tpu.dma_semaphore, #tpu.memory_space<semaphore_mem>> -> memref<!tpu.dma_semaphore, #tpu.memory_space<semaphore_mem>>
        tpu.enqueue_indirect_dma source(%dma_start3A_341 : memref<100000x128xf32, #tpu.memory_space<hbm>>) target(%dma_start3A_335 : memref<128x128xf32, #tpu.memory_space<vmem>>) offsets(%dma_start3A_338 : memref<128xi32, #tpu.memory_space<vmem>>) semaphore(%dma_start3A_343 : memref<!tpu.dma_semaphore, #tpu.memory_space<semaphore_mem>>)
      } else {
      }
      %add3A_179 = arith.constant 2 : i32
      %add3A_180 = arith.addi %add3A_85, %add3A_179 : i32
      %dma_wait3A_181 = arith.constant 2 : i32
      %dma_wait3A_182 = arith.constant 2 : i32
      %dma_wait3A_183 = arith.constant 0 : i32
      %dma_wait3A_184 = arith.constant 0 : i32
      %dma_wait3A_185 = tpu.memref_slice %arg6[%dma_wait3A_181, %dma_wait3A_183, %dma_wait3A_184] : memref<5x128x128xf32, #tpu.memory_space<vmem>> -> memref<1x128x128xf32, #tpu.memory_space<vmem>>
      %dma_wait3A_186 = tpu.memref_squeeze %dma_wait3A_185 : memref<1x128x128xf32, #tpu.memory_space<vmem>> -> memref<128x128xf32, #tpu.memory_space<vmem>>
      %dma_wait3A_187 = arith.constant 0 : i32
      %dma_wait3A_188 = tpu.memref_slice %arg5[%add3A_180, %dma_wait3A_187] : memref<50x128xi32, #tpu.memory_space<vmem>> -> memref<1x128xi32, #tpu.memory_space<vmem>>
      %dma_wait3A_189 = tpu.memref_squeeze %dma_wait3A_188 : memref<1x128xi32, #tpu.memory_space<vmem>> -> memref<128xi32, #tpu.memory_space<vmem>>
      %dma_wait3A_190 = arith.constant 0 : i32
      %dma_wait3A_191 = arith.constant 0 : i32
      %dma_wait3A_192 = tpu.memref_slice %arg3[%dma_wait3A_190, %dma_wait3A_191] : memref<100000x128xf32, #tpu.memory_space<hbm>> -> memref<100000x128xf32, #tpu.memory_space<hbm>>
      %dma_wait3A_193 = tpu.memref_slice %arg7[%dma_wait3A_182] : memref<5x!tpu.dma_semaphore, #tpu.memory_space<semaphore_mem>> -> memref<1x!tpu.dma_semaphore, #tpu.memory_space<semaphore_mem>>
      %dma_wait3A_194 = tpu.memref_squeeze %dma_wait3A_193 : memref<1x!tpu.dma_semaphore, #tpu.memory_space<semaphore_mem>> -> memref<!tpu.dma_semaphore, #tpu.memory_space<semaphore_mem>>
      tpu.wait_indirect_dma semaphore(%dma_wait3A_194 : memref<!tpu.dma_semaphore, #tpu.memory_space<semaphore_mem>>) src(%dma_wait3A_192 : memref<100000x128xf32, #tpu.memory_space<hbm>>) dst(%dma_wait3A_186 : memref<128x128xf32, #tpu.memory_space<vmem>>)
      %mul3A_195 = arith.constant 128 : i32
      %mul3A_196 = arith.muli %add3A_180, %mul3A_195 : i32
      %add3A_197 = arith.addi %mul3A_2, %mul3A_196 : i32
      %dma_start3A_198 = arith.constant 2 : i32
      %dma_start3A_199 = arith.constant 2 : i32
      %dma_start3A_200 = arith.constant 0 : i32
      %dma_start3A_201 = arith.constant 0 : i32
      %dma_start3A_202 = tpu.memref_slice %arg6[%dma_start3A_198, %dma_start3A_200, %dma_start3A_201] : memref<5x128x128xf32, #tpu.memory_space<vmem>> -> memref<1x128x128xf32, #tpu.memory_space<vmem>>
      %dma_start3A_203 = tpu.memref_squeeze %dma_start3A_202 : memref<1x128x128xf32, #tpu.memory_space<vmem>> -> memref<128x128xf32, #tpu.memory_space<vmem>>
      %dma_start3A_204 = arith.constant 0 : i32
      %dma_start3A_205 = tpu.memref_slice %arg4[%add3A_197, %dma_start3A_204] : memref<204800x128xf32, #tpu.memory_space<hbm>> -> memref<128x128xf32, #tpu.memory_space<hbm>>
      %dma_start3A_206 = tpu.memref_slice %arg8[%dma_start3A_199] : memref<5x!tpu.dma_semaphore, #tpu.memory_space<semaphore_mem>> -> memref<1x!tpu.dma_semaphore, #tpu.memory_space<semaphore_mem>>
      %dma_start3A_207 = tpu.memref_squeeze %dma_start3A_206 : memref<1x!tpu.dma_semaphore, #tpu.memory_space<semaphore_mem>> -> memref<!tpu.dma_semaphore, #tpu.memory_space<semaphore_mem>>
      %dma_start3A_208 = arith.constant 0 : i32
      %dma_start3A_209 = tpu.memref_slice %arg4[%add3A_197, %dma_start3A_208] : memref<204800x128xf32, #tpu.memory_space<hbm>> -> memref<128x128xf32, #tpu.memory_space<hbm>>
      %dma_start3A_210 = arith.constant 0 : i32
      %dma_start3A_211 = arith.constant 0 : i32
      %dma_start3A_212 = tpu.memref_slice %arg6[%dma_start3A_198, %dma_start3A_210, %dma_start3A_211] : memref<5x128x128xf32, #tpu.memory_space<vmem>> -> memref<1x128x128xf32, #tpu.memory_space<vmem>>
      %dma_start3A_213 = tpu.memref_squeeze %dma_start3A_212 : memref<1x128x128xf32, #tpu.memory_space<vmem>> -> memref<128x128xf32, #tpu.memory_space<vmem>>
      tpu.enqueue_dma source(%dma_start3A_213 : memref<128x128xf32, #tpu.memory_space<vmem>>) target(%dma_start3A_209 : memref<128x128xf32, #tpu.memory_space<hbm>>) target_semaphore(%dma_start3A_207 : memref<!tpu.dma_semaphore, #tpu.memory_space<semaphore_mem>>)
      %gt3A_214 = arith.constant 0 : i32
      %gt3A_215 = arith.cmpi sgt, %add3A_180, %gt3A_214 : i32
      %convert_element_type3A_216 = arith.extui %gt3A_215 : i1 to i32
      %cond3A_217 = arith.constant 0 : i32
      %cond3A_218 = arith.cmpi ne, %convert_element_type3A_216, %cond3A_217 : i32
      scf.if %cond3A_218 {
        %dma_wait3A_326 = arith.constant 1 : i32
        %dma_wait3A_327 = arith.constant 1 : i32
        %dma_wait3A_328 = arith.constant 0 : i32
        %dma_wait3A_329 = arith.constant 0 : i32
        %dma_wait3A_330 = tpu.memref_slice %arg6[%dma_wait3A_326, %dma_wait3A_328, %dma_wait3A_329] : memref<5x128x128xf32, #tpu.memory_space<vmem>> -> memref<1x128x128xf32, #tpu.memory_space<vmem>>
        %dma_wait3A_331 = tpu.memref_squeeze %dma_wait3A_330 : memref<1x128x128xf32, #tpu.memory_space<vmem>> -> memref<128x128xf32, #tpu.memory_space<vmem>>
        %dma_wait3A_332 = arith.constant 0 : i32
        %dma_wait3A_333 = tpu.memref_slice %arg4[%mul3A_2, %dma_wait3A_332] : memref<204800x128xf32, #tpu.memory_space<hbm>> -> memref<128x128xf32, #tpu.memory_space<hbm>>
        %dma_wait3A_334 = tpu.memref_slice %arg8[%dma_wait3A_327] : memref<5x!tpu.dma_semaphore, #tpu.memory_space<semaphore_mem>> -> memref<1x!tpu.dma_semaphore, #tpu.memory_space<semaphore_mem>>
        %dma_wait3A_335 = tpu.memref_squeeze %dma_wait3A_334 : memref<1x!tpu.dma_semaphore, #tpu.memory_space<semaphore_mem>> -> memref<!tpu.dma_semaphore, #tpu.memory_space<semaphore_mem>>
        %dma_wait3A_336 = arith.constant 0 : i32
        %dma_wait3A_337 = tpu.memref_slice %arg4[%mul3A_2, %dma_wait3A_336] : memref<204800x128xf32, #tpu.memory_space<hbm>> -> memref<128x128xf32, #tpu.memory_space<hbm>>
        %dma_wait3A_338 = arith.constant 0 : i32
        %dma_wait3A_339 = arith.constant 0 : i32
        %dma_wait3A_340 = tpu.memref_slice %arg6[%dma_wait3A_326, %dma_wait3A_338, %dma_wait3A_339] : memref<5x128x128xf32, #tpu.memory_space<vmem>> -> memref<1x128x128xf32, #tpu.memory_space<vmem>>
        %dma_wait3A_341 = tpu.memref_squeeze %dma_wait3A_340 : memref<1x128x128xf32, #tpu.memory_space<vmem>> -> memref<128x128xf32, #tpu.memory_space<vmem>>
        tpu.wait_dma2 semaphore(%dma_wait3A_335 : memref<!tpu.dma_semaphore, #tpu.memory_space<semaphore_mem>>) src(%dma_wait3A_341 : memref<128x128xf32, #tpu.memory_space<vmem>>) dst(%dma_wait3A_337 : memref<128x128xf32, #tpu.memory_space<hbm>>)
      } else {
      }
      %add3A_219 = arith.constant 5 : i32
      %add3A_220 = arith.addi %add3A_180, %add3A_219 : i32
      %sub3A_221 = arith.constant 1 : i32
      %sub3A_222 = arith.subi %add3A_220, %sub3A_221 : i32
      %lt3A_223 = arith.constant 50 : i32
      %lt3A_224 = arith.cmpi slt, %sub3A_222, %lt3A_223 : i32
      %convert_element_type3A_225 = arith.extui %lt3A_224 : i1 to i32
      %cond3A_226 = arith.constant 0 : i32
      %cond3A_227 = arith.cmpi ne, %convert_element_type3A_225, %cond3A_226 : i32
      scf.if %cond3A_227 {
        %add3A_326 = arith.constant 5 : i32
        %add3A_327 = arith.addi %add3A_180, %add3A_326 : i32
        %sub3A_328 = arith.constant 1 : i32
        %sub3A_329 = arith.subi %add3A_327, %sub3A_328 : i32
        %dma_start3A_330 = arith.constant 1 : i32
        %dma_start3A_331 = arith.constant 1 : i32
        %dma_start3A_332 = arith.constant 0 : i32
        %dma_start3A_333 = arith.constant 0 : i32
        %dma_start3A_334 = tpu.memref_slice %arg6[%dma_start3A_330, %dma_start3A_332, %dma_start3A_333] : memref<5x128x128xf32, #tpu.memory_space<vmem>> -> memref<1x128x128xf32, #tpu.memory_space<vmem>>
        %dma_start3A_335 = tpu.memref_squeeze %dma_start3A_334 : memref<1x128x128xf32, #tpu.memory_space<vmem>> -> memref<128x128xf32, #tpu.memory_space<vmem>>
        %dma_start3A_336 = arith.constant 0 : i32
        %dma_start3A_337 = tpu.memref_slice %arg5[%sub3A_329, %dma_start3A_336] : memref<50x128xi32, #tpu.memory_space<vmem>> -> memref<1x128xi32, #tpu.memory_space<vmem>>
        %dma_start3A_338 = tpu.memref_squeeze %dma_start3A_337 : memref<1x128xi32, #tpu.memory_space<vmem>> -> memref<128xi32, #tpu.memory_space<vmem>>
        %dma_start3A_339 = arith.constant 0 : i32
        %dma_start3A_340 = arith.constant 0 : i32
        %dma_start3A_341 = tpu.memref_slice %arg3[%dma_start3A_339, %dma_start3A_340] : memref<100000x128xf32, #tpu.memory_space<hbm>> -> memref<100000x128xf32, #tpu.memory_space<hbm>>
        %dma_start3A_342 = tpu.memref_slice %arg7[%dma_start3A_331] : memref<5x!tpu.dma_semaphore, #tpu.memory_space<semaphore_mem>> -> memref<1x!tpu.dma_semaphore, #tpu.memory_space<semaphore_mem>>
        %dma_start3A_343 = tpu.memref_squeeze %dma_start3A_342 : memref<1x!tpu.dma_semaphore, #tpu.memory_space<semaphore_mem>> -> memref<!tpu.dma_semaphore, #tpu.memory_space<semaphore_mem>>
        tpu.enqueue_indirect_dma source(%dma_start3A_341 : memref<100000x128xf32, #tpu.memory_space<hbm>>) target(%dma_start3A_335 : memref<128x128xf32, #tpu.memory_space<vmem>>) offsets(%dma_start3A_338 : memref<128xi32, #tpu.memory_space<vmem>>) semaphore(%dma_start3A_343 : memref<!tpu.dma_semaphore, #tpu.memory_space<semaphore_mem>>)
      } else {
      }
      %add3A_228 = arith.constant 3 : i32
      %add3A_229 = arith.addi %add3A_85, %add3A_228 : i32
      %dma_wait3A_230 = arith.constant 3 : i32
      %dma_wait3A_231 = arith.constant 3 : i32
      %dma_wait3A_232 = arith.constant 0 : i32
      %dma_wait3A_233 = arith.constant 0 : i32
      %dma_wait3A_234 = tpu.memref_slice %arg6[%dma_wait3A_230, %dma_wait3A_232, %dma_wait3A_233] : memref<5x128x128xf32, #tpu.memory_space<vmem>> -> memref<1x128x128xf32, #tpu.memory_space<vmem>>
      %dma_wait3A_235 = tpu.memref_squeeze %dma_wait3A_234 : memref<1x128x128xf32, #tpu.memory_space<vmem>> -> memref<128x128xf32, #tpu.memory_space<vmem>>
      %dma_wait3A_236 = arith.constant 0 : i32
      %dma_wait3A_237 = tpu.memref_slice %arg5[%add3A_229, %dma_wait3A_236] : memref<50x128xi32, #tpu.memory_space<vmem>> -> memref<1x128xi32, #tpu.memory_space<vmem>>
      %dma_wait3A_238 = tpu.memref_squeeze %dma_wait3A_237 : memref<1x128xi32, #tpu.memory_space<vmem>> -> memref<128xi32, #tpu.memory_space<vmem>>
      %dma_wait3A_239 = arith.constant 0 : i32
      %dma_wait3A_240 = arith.constant 0 : i32
      %dma_wait3A_241 = tpu.memref_slice %arg3[%dma_wait3A_239, %dma_wait3A_240] : memref<100000x128xf32, #tpu.memory_space<hbm>> -> memref<100000x128xf32, #tpu.memory_space<hbm>>
      %dma_wait3A_242 = tpu.memref_slice %arg7[%dma_wait3A_231] : memref<5x!tpu.dma_semaphore, #tpu.memory_space<semaphore_mem>> -> memref<1x!tpu.dma_semaphore, #tpu.memory_space<semaphore_mem>>
      %dma_wait3A_243 = tpu.memref_squeeze %dma_wait3A_242 : memref<1x!tpu.dma_semaphore, #tpu.memory_space<semaphore_mem>> -> memref<!tpu.dma_semaphore, #tpu.memory_space<semaphore_mem>>
      tpu.wait_indirect_dma semaphore(%dma_wait3A_243 : memref<!tpu.dma_semaphore, #tpu.memory_space<semaphore_mem>>) src(%dma_wait3A_241 : memref<100000x128xf32, #tpu.memory_space<hbm>>) dst(%dma_wait3A_235 : memref<128x128xf32, #tpu.memory_space<vmem>>)
      %mul3A_244 = arith.constant 128 : i32
      %mul3A_245 = arith.muli %add3A_229, %mul3A_244 : i32
      %add3A_246 = arith.addi %mul3A_2, %mul3A_245 : i32
      %dma_start3A_247 = arith.constant 3 : i32
      %dma_start3A_248 = arith.constant 3 : i32
      %dma_start3A_249 = arith.constant 0 : i32
      %dma_start3A_250 = arith.constant 0 : i32
      %dma_start3A_251 = tpu.memref_slice %arg6[%dma_start3A_247, %dma_start3A_249, %dma_start3A_250] : memref<5x128x128xf32, #tpu.memory_space<vmem>> -> memref<1x128x128xf32, #tpu.memory_space<vmem>>
      %dma_start3A_252 = tpu.memref_squeeze %dma_start3A_251 : memref<1x128x128xf32, #tpu.memory_space<vmem>> -> memref<128x128xf32, #tpu.memory_space<vmem>>
      %dma_start3A_253 = arith.constant 0 : i32
      %dma_start3A_254 = tpu.memref_slice %arg4[%add3A_246, %dma_start3A_253] : memref<204800x128xf32, #tpu.memory_space<hbm>> -> memref<128x128xf32, #tpu.memory_space<hbm>>
      %dma_start3A_255 = tpu.memref_slice %arg8[%dma_start3A_248] : memref<5x!tpu.dma_semaphore, #tpu.memory_space<semaphore_mem>> -> memref<1x!tpu.dma_semaphore, #tpu.memory_space<semaphore_mem>>
      %dma_start3A_256 = tpu.memref_squeeze %dma_start3A_255 : memref<1x!tpu.dma_semaphore, #tpu.memory_space<semaphore_mem>> -> memref<!tpu.dma_semaphore, #tpu.memory_space<semaphore_mem>>
      %dma_start3A_257 = arith.constant 0 : i32
      %dma_start3A_258 = tpu.memref_slice %arg4[%add3A_246, %dma_start3A_257] : memref<204800x128xf32, #tpu.memory_space<hbm>> -> memref<128x128xf32, #tpu.memory_space<hbm>>
      %dma_start3A_259 = arith.constant 0 : i32
      %dma_start3A_260 = arith.constant 0 : i32
      %dma_start3A_261 = tpu.memref_slice %arg6[%dma_start3A_247, %dma_start3A_259, %dma_start3A_260] : memref<5x128x128xf32, #tpu.memory_space<vmem>> -> memref<1x128x128xf32, #tpu.memory_space<vmem>>
      %dma_start3A_262 = tpu.memref_squeeze %dma_start3A_261 : memref<1x128x128xf32, #tpu.memory_space<vmem>> -> memref<128x128xf32, #tpu.memory_space<vmem>>
      tpu.enqueue_dma source(%dma_start3A_262 : memref<128x128xf32, #tpu.memory_space<vmem>>) target(%dma_start3A_258 : memref<128x128xf32, #tpu.memory_space<hbm>>) target_semaphore(%dma_start3A_256 : memref<!tpu.dma_semaphore, #tpu.memory_space<semaphore_mem>>)
      %gt3A_263 = arith.constant 0 : i32
      %gt3A_264 = arith.cmpi sgt, %add3A_229, %gt3A_263 : i32
      %convert_element_type3A_265 = arith.extui %gt3A_264 : i1 to i32
      %cond3A_266 = arith.constant 0 : i32
      %cond3A_267 = arith.cmpi ne, %convert_element_type3A_265, %cond3A_266 : i32
      scf.if %cond3A_267 {
        %dma_wait3A_326 = arith.constant 2 : i32
        %dma_wait3A_327 = arith.constant 2 : i32
        %dma_wait3A_328 = arith.constant 0 : i32
        %dma_wait3A_329 = arith.constant 0 : i32
        %dma_wait3A_330 = tpu.memref_slice %arg6[%dma_wait3A_326, %dma_wait3A_328, %dma_wait3A_329] : memref<5x128x128xf32, #tpu.memory_space<vmem>> -> memref<1x128x128xf32, #tpu.memory_space<vmem>>
        %dma_wait3A_331 = tpu.memref_squeeze %dma_wait3A_330 : memref<1x128x128xf32, #tpu.memory_space<vmem>> -> memref<128x128xf32, #tpu.memory_space<vmem>>
        %dma_wait3A_332 = arith.constant 0 : i32
        %dma_wait3A_333 = tpu.memref_slice %arg4[%mul3A_2, %dma_wait3A_332] : memref<204800x128xf32, #tpu.memory_space<hbm>> -> memref<128x128xf32, #tpu.memory_space<hbm>>
        %dma_wait3A_334 = tpu.memref_slice %arg8[%dma_wait3A_327] : memref<5x!tpu.dma_semaphore, #tpu.memory_space<semaphore_mem>> -> memref<1x!tpu.dma_semaphore, #tpu.memory_space<semaphore_mem>>
        %dma_wait3A_335 = tpu.memref_squeeze %dma_wait3A_334 : memref<1x!tpu.dma_semaphore, #tpu.memory_space<semaphore_mem>> -> memref<!tpu.dma_semaphore, #tpu.memory_space<semaphore_mem>>
        %dma_wait3A_336 = arith.constant 0 : i32
        %dma_wait3A_337 = tpu.memref_slice %arg4[%mul3A_2, %dma_wait3A_336] : memref<204800x128xf32, #tpu.memory_space<hbm>> -> memref<128x128xf32, #tpu.memory_space<hbm>>
        %dma_wait3A_338 = arith.constant 0 : i32
        %dma_wait3A_339 = arith.constant 0 : i32
        %dma_wait3A_340 = tpu.memref_slice %arg6[%dma_wait3A_326, %dma_wait3A_338, %dma_wait3A_339] : memref<5x128x128xf32, #tpu.memory_space<vmem>> -> memref<1x128x128xf32, #tpu.memory_space<vmem>>
        %dma_wait3A_341 = tpu.memref_squeeze %dma_wait3A_340 : memref<1x128x128xf32, #tpu.memory_space<vmem>> -> memref<128x128xf32, #tpu.memory_space<vmem>>
        tpu.wait_dma2 semaphore(%dma_wait3A_335 : memref<!tpu.dma_semaphore, #tpu.memory_space<semaphore_mem>>) src(%dma_wait3A_341 : memref<128x128xf32, #tpu.memory_space<vmem>>) dst(%dma_wait3A_337 : memref<128x128xf32, #tpu.memory_space<hbm>>)
      } else {
      }
      %add3A_268 = arith.constant 5 : i32
      %add3A_269 = arith.addi %add3A_229, %add3A_268 : i32
      %sub3A_270 = arith.constant 1 : i32
      %sub3A_271 = arith.subi %add3A_269, %sub3A_270 : i32
      %lt3A_272 = arith.constant 50 : i32
      %lt3A_273 = arith.cmpi slt, %sub3A_271, %lt3A_272 : i32
      %convert_element_type3A_274 = arith.extui %lt3A_273 : i1 to i32
      %cond3A_275 = arith.constant 0 : i32
      %cond3A_276 = arith.cmpi ne, %convert_element_type3A_274, %cond3A_275 : i32
      scf.if %cond3A_276 {
        %add3A_326 = arith.constant 5 : i32
        %add3A_327 = arith.addi %add3A_229, %add3A_326 : i32
        %sub3A_328 = arith.constant 1 : i32
        %sub3A_329 = arith.subi %add3A_327, %sub3A_328 : i32
        %dma_start3A_330 = arith.constant 2 : i32
        %dma_start3A_331 = arith.constant 2 : i32
        %dma_start3A_332 = arith.constant 0 : i32
        %dma_start3A_333 = arith.constant 0 : i32
        %dma_start3A_334 = tpu.memref_slice %arg6[%dma_start3A_330, %dma_start3A_332, %dma_start3A_333] : memref<5x128x128xf32, #tpu.memory_space<vmem>> -> memref<1x128x128xf32, #tpu.memory_space<vmem>>
        %dma_start3A_335 = tpu.memref_squeeze %dma_start3A_334 : memref<1x128x128xf32, #tpu.memory_space<vmem>> -> memref<128x128xf32, #tpu.memory_space<vmem>>
        %dma_start3A_336 = arith.constant 0 : i32
        %dma_start3A_337 = tpu.memref_slice %arg5[%sub3A_329, %dma_start3A_336] : memref<50x128xi32, #tpu.memory_space<vmem>> -> memref<1x128xi32, #tpu.memory_space<vmem>>
        %dma_start3A_338 = tpu.memref_squeeze %dma_start3A_337 : memref<1x128xi32, #tpu.memory_space<vmem>> -> memref<128xi32, #tpu.memory_space<vmem>>
        %dma_start3A_339 = arith.constant 0 : i32
        %dma_start3A_340 = arith.constant 0 : i32
        %dma_start3A_341 = tpu.memref_slice %arg3[%dma_start3A_339, %dma_start3A_340] : memref<100000x128xf32, #tpu.memory_space<hbm>> -> memref<100000x128xf32, #tpu.memory_space<hbm>>
        %dma_start3A_342 = tpu.memref_slice %arg7[%dma_start3A_331] : memref<5x!tpu.dma_semaphore, #tpu.memory_space<semaphore_mem>> -> memref<1x!tpu.dma_semaphore, #tpu.memory_space<semaphore_mem>>
        %dma_start3A_343 = tpu.memref_squeeze %dma_start3A_342 : memref<1x!tpu.dma_semaphore, #tpu.memory_space<semaphore_mem>> -> memref<!tpu.dma_semaphore, #tpu.memory_space<semaphore_mem>>
        tpu.enqueue_indirect_dma source(%dma_start3A_341 : memref<100000x128xf32, #tpu.memory_space<hbm>>) target(%dma_start3A_335 : memref<128x128xf32, #tpu.memory_space<vmem>>) offsets(%dma_start3A_338 : memref<128xi32, #tpu.memory_space<vmem>>) semaphore(%dma_start3A_343 : memref<!tpu.dma_semaphore, #tpu.memory_space<semaphore_mem>>)
      } else {
      }
      %add3A_277 = arith.constant 4 : i32
      %add3A_278 = arith.addi %add3A_85, %add3A_277 : i32
      %dma_wait3A_279 = arith.constant 4 : i32
      %dma_wait3A_280 = arith.constant 4 : i32
      %dma_wait3A_281 = arith.constant 0 : i32
      %dma_wait3A_282 = arith.constant 0 : i32
      %dma_wait3A_283 = tpu.memref_slice %arg6[%dma_wait3A_279, %dma_wait3A_281, %dma_wait3A_282] : memref<5x128x128xf32, #tpu.memory_space<vmem>> -> memref<1x128x128xf32, #tpu.memory_space<vmem>>
      %dma_wait3A_284 = tpu.memref_squeeze %dma_wait3A_283 : memref<1x128x128xf32, #tpu.memory_space<vmem>> -> memref<128x128xf32, #tpu.memory_space<vmem>>
      %dma_wait3A_285 = arith.constant 0 : i32
      %dma_wait3A_286 = tpu.memref_slice %arg5[%add3A_278, %dma_wait3A_285] : memref<50x128xi32, #tpu.memory_space<vmem>> -> memref<1x128xi32, #tpu.memory_space<vmem>>
      %dma_wait3A_287 = tpu.memref_squeeze %dma_wait3A_286 : memref<1x128xi32, #tpu.memory_space<vmem>> -> memref<128xi32, #tpu.memory_space<vmem>>
      %dma_wait3A_288 = arith.constant 0 : i32
      %dma_wait3A_289 = arith.constant 0 : i32
      %dma_wait3A_290 = tpu.memref_slice %arg3[%dma_wait3A_288, %dma_wait3A_289] : memref<100000x128xf32, #tpu.memory_space<hbm>> -> memref<100000x128xf32, #tpu.memory_space<hbm>>
      %dma_wait3A_291 = tpu.memref_slice %arg7[%dma_wait3A_280] : memref<5x!tpu.dma_semaphore, #tpu.memory_space<semaphore_mem>> -> memref<1x!tpu.dma_semaphore, #tpu.memory_space<semaphore_mem>>
      %dma_wait3A_292 = tpu.memref_squeeze %dma_wait3A_291 : memref<1x!tpu.dma_semaphore, #tpu.memory_space<semaphore_mem>> -> memref<!tpu.dma_semaphore, #tpu.memory_space<semaphore_mem>>
      tpu.wait_indirect_dma semaphore(%dma_wait3A_292 : memref<!tpu.dma_semaphore, #tpu.memory_space<semaphore_mem>>) src(%dma_wait3A_290 : memref<100000x128xf32, #tpu.memory_space<hbm>>) dst(%dma_wait3A_284 : memref<128x128xf32, #tpu.memory_space<vmem>>)
      %mul3A_293 = arith.constant 128 : i32
      %mul3A_294 = arith.muli %add3A_278, %mul3A_293 : i32
      %add3A_295 = arith.addi %mul3A_2, %mul3A_294 : i32
      %dma_start3A_296 = arith.constant 4 : i32
      %dma_start3A_297 = arith.constant 4 : i32
      %dma_start3A_298 = arith.constant 0 : i32
      %dma_start3A_299 = arith.constant 0 : i32
      %dma_start3A_300 = tpu.memref_slice %arg6[%dma_start3A_296, %dma_start3A_298, %dma_start3A_299] : memref<5x128x128xf32, #tpu.memory_space<vmem>> -> memref<1x128x128xf32, #tpu.memory_space<vmem>>
      %dma_start3A_301 = tpu.memref_squeeze %dma_start3A_300 : memref<1x128x128xf32, #tpu.memory_space<vmem>> -> memref<128x128xf32, #tpu.memory_space<vmem>>
      %dma_start3A_302 = arith.constant 0 : i32
      %dma_start3A_303 = tpu.memref_slice %arg4[%add3A_295, %dma_start3A_302] : memref<204800x128xf32, #tpu.memory_space<hbm>> -> memref<128x128xf32, #tpu.memory_space<hbm>>
      %dma_start3A_304 = tpu.memref_slice %arg8[%dma_start3A_297] : memref<5x!tpu.dma_semaphore, #tpu.memory_space<semaphore_mem>> -> memref<1x!tpu.dma_semaphore, #tpu.memory_space<semaphore_mem>>
      %dma_start3A_305 = tpu.memref_squeeze %dma_start3A_304 : memref<1x!tpu.dma_semaphore, #tpu.memory_space<semaphore_mem>> -> memref<!tpu.dma_semaphore, #tpu.memory_space<semaphore_mem>>
      %dma_start3A_306 = arith.constant 0 : i32
      %dma_start3A_307 = tpu.memref_slice %arg4[%add3A_295, %dma_start3A_306] : memref<204800x128xf32, #tpu.memory_space<hbm>> -> memref<128x128xf32, #tpu.memory_space<hbm>>
      %dma_start3A_308 = arith.constant 0 : i32
      %dma_start3A_309 = arith.constant 0 : i32
      %dma_start3A_310 = tpu.memref_slice %arg6[%dma_start3A_296, %dma_start3A_308, %dma_start3A_309] : memref<5x128x128xf32, #tpu.memory_space<vmem>> -> memref<1x128x128xf32, #tpu.memory_space<vmem>>
      %dma_start3A_311 = tpu.memref_squeeze %dma_start3A_310 : memref<1x128x128xf32, #tpu.memory_space<vmem>> -> memref<128x128xf32, #tpu.memory_space<vmem>>
      tpu.enqueue_dma source(%dma_start3A_311 : memref<128x128xf32, #tpu.memory_space<vmem>>) target(%dma_start3A_307 : memref<128x128xf32, #tpu.memory_space<hbm>>) target_semaphore(%dma_start3A_305 : memref<!tpu.dma_semaphore, #tpu.memory_space<semaphore_mem>>)
      %gt3A_312 = arith.constant 0 : i32
      %gt3A_313 = arith.cmpi sgt, %add3A_278, %gt3A_312 : i32
      %convert_element_type3A_314 = arith.extui %gt3A_313 : i1 to i32
      %cond3A_315 = arith.constant 0 : i32
      %cond3A_316 = arith.cmpi ne, %convert_element_type3A_314, %cond3A_315 : i32
      scf.if %cond3A_316 {
        %dma_wait3A_326 = arith.constant 3 : i32
        %dma_wait3A_327 = arith.constant 3 : i32
        %dma_wait3A_328 = arith.constant 0 : i32
        %dma_wait3A_329 = arith.constant 0 : i32
        %dma_wait3A_330 = tpu.memref_slice %arg6[%dma_wait3A_326, %dma_wait3A_328, %dma_wait3A_329] : memref<5x128x128xf32, #tpu.memory_space<vmem>> -> memref<1x128x128xf32, #tpu.memory_space<vmem>>
        %dma_wait3A_331 = tpu.memref_squeeze %dma_wait3A_330 : memref<1x128x128xf32, #tpu.memory_space<vmem>> -> memref<128x128xf32, #tpu.memory_space<vmem>>
        %dma_wait3A_332 = arith.constant 0 : i32
        %dma_wait3A_333 = tpu.memref_slice %arg4[%mul3A_2, %dma_wait3A_332] : memref<204800x128xf32, #tpu.memory_space<hbm>> -> memref<128x128xf32, #tpu.memory_space<hbm>>
        %dma_wait3A_334 = tpu.memref_slice %arg8[%dma_wait3A_327] : memref<5x!tpu.dma_semaphore, #tpu.memory_space<semaphore_mem>> -> memref<1x!tpu.dma_semaphore, #tpu.memory_space<semaphore_mem>>
        %dma_wait3A_335 = tpu.memref_squeeze %dma_wait3A_334 : memref<1x!tpu.dma_semaphore, #tpu.memory_space<semaphore_mem>> -> memref<!tpu.dma_semaphore, #tpu.memory_space<semaphore_mem>>
        %dma_wait3A_336 = arith.constant 0 : i32
        %dma_wait3A_337 = tpu.memref_slice %arg4[%mul3A_2, %dma_wait3A_336] : memref<204800x128xf32, #tpu.memory_space<hbm>> -> memref<128x128xf32, #tpu.memory_space<hbm>>
        %dma_wait3A_338 = arith.constant 0 : i32
        %dma_wait3A_339 = arith.constant 0 : i32
        %dma_wait3A_340 = tpu.memref_slice %arg6[%dma_wait3A_326, %dma_wait3A_338, %dma_wait3A_339] : memref<5x128x128xf32, #tpu.memory_space<vmem>> -> memref<1x128x128xf32, #tpu.memory_space<vmem>>
        %dma_wait3A_341 = tpu.memref_squeeze %dma_wait3A_340 : memref<1x128x128xf32, #tpu.memory_space<vmem>> -> memref<128x128xf32, #tpu.memory_space<vmem>>
        tpu.wait_dma2 semaphore(%dma_wait3A_335 : memref<!tpu.dma_semaphore, #tpu.memory_space<semaphore_mem>>) src(%dma_wait3A_341 : memref<128x128xf32, #tpu.memory_space<vmem>>) dst(%dma_wait3A_337 : memref<128x128xf32, #tpu.memory_space<hbm>>)
      } else {
      }
      %add3A_317 = arith.constant 5 : i32
      %add3A_318 = arith.addi %add3A_278, %add3A_317 : i32
      %sub3A_319 = arith.constant 1 : i32
      %sub3A_320 = arith.subi %add3A_318, %sub3A_319 : i32
      %lt3A_321 = arith.constant 50 : i32
      %lt3A_322 = arith.cmpi slt, %sub3A_320, %lt3A_321 : i32
      %convert_element_type3A_323 = arith.extui %lt3A_322 : i1 to i32
      %cond3A_324 = arith.constant 0 : i32
      %cond3A_325 = arith.cmpi ne, %convert_element_type3A_323, %cond3A_324 : i32
      scf.if %cond3A_325 {
        %add3A_326 = arith.constant 5 : i32
        %add3A_327 = arith.addi %add3A_278, %add3A_326 : i32
        %sub3A_328 = arith.constant 1 : i32
        %sub3A_329 = arith.subi %add3A_327, %sub3A_328 : i32
        %dma_start3A_330 = arith.constant 3 : i32
        %dma_start3A_331 = arith.constant 3 : i32
        %dma_start3A_332 = arith.constant 0 : i32
        %dma_start3A_333 = arith.constant 0 : i32
        %dma_start3A_334 = tpu.memref_slice %arg6[%dma_start3A_330, %dma_start3A_332, %dma_start3A_333] : memref<5x128x128xf32, #tpu.memory_space<vmem>> -> memref<1x128x128xf32, #tpu.memory_space<vmem>>
        %dma_start3A_335 = tpu.memref_squeeze %dma_start3A_334 : memref<1x128x128xf32, #tpu.memory_space<vmem>> -> memref<128x128xf32, #tpu.memory_space<vmem>>
        %dma_start3A_336 = arith.constant 0 : i32
        %dma_start3A_337 = tpu.memref_slice %arg5[%sub3A_329, %dma_start3A_336] : memref<50x128xi32, #tpu.memory_space<vmem>> -> memref<1x128xi32, #tpu.memory_space<vmem>>
        %dma_start3A_338 = tpu.memref_squeeze %dma_start3A_337 : memref<1x128xi32, #tpu.memory_space<vmem>> -> memref<128xi32, #tpu.memory_space<vmem>>
        %dma_start3A_339 = arith.constant 0 : i32
        %dma_start3A_340 = arith.constant 0 : i32
        %dma_start3A_341 = tpu.memref_slice %arg3[%dma_start3A_339, %dma_start3A_340] : memref<100000x128xf32, #tpu.memory_space<hbm>> -> memref<100000x128xf32, #tpu.memory_space<hbm>>
        %dma_start3A_342 = tpu.memref_slice %arg7[%dma_start3A_331] : memref<5x!tpu.dma_semaphore, #tpu.memory_space<semaphore_mem>> -> memref<1x!tpu.dma_semaphore, #tpu.memory_space<semaphore_mem>>
        %dma_start3A_343 = tpu.memref_squeeze %dma_start3A_342 : memref<1x!tpu.dma_semaphore, #tpu.memory_space<semaphore_mem>> -> memref<!tpu.dma_semaphore, #tpu.memory_space<semaphore_mem>>
        tpu.enqueue_indirect_dma source(%dma_start3A_341 : memref<100000x128xf32, #tpu.memory_space<hbm>>) target(%dma_start3A_335 : memref<128x128xf32, #tpu.memory_space<vmem>>) offsets(%dma_start3A_338 : memref<128xi32, #tpu.memory_space<vmem>>) semaphore(%dma_start3A_343 : memref<!tpu.dma_semaphore, #tpu.memory_space<semaphore_mem>>)
      } else {
      }
    }
    %scan3A_65 = arith.constant 10 : i32
    %dma_wait3A = arith.constant 4 : i32
    %dma_wait3A_66 = arith.constant 4 : i32
    %dma_wait3A_67 = arith.constant 0 : i32
    %dma_wait3A_68 = arith.constant 0 : i32
    %dma_wait3A_69 = tpu.memref_slice %arg6[%dma_wait3A, %dma_wait3A_67, %dma_wait3A_68] : memref<5x128x128xf32, #tpu.memory_space<vmem>> -> memref<1x128x128xf32, #tpu.memory_space<vmem>>
    %dma_wait3A_70 = tpu.memref_squeeze %dma_wait3A_69 : memref<1x128x128xf32, #tpu.memory_space<vmem>> -> memref<128x128xf32, #tpu.memory_space<vmem>>
    %dma_wait3A_71 = arith.constant 0 : i32
    %dma_wait3A_72 = tpu.memref_slice %arg4[%mul3A_2, %dma_wait3A_71] : memref<204800x128xf32, #tpu.memory_space<hbm>> -> memref<128x128xf32, #tpu.memory_space<hbm>>
    %dma_wait3A_73 = tpu.memref_slice %arg8[%dma_wait3A_66] : memref<5x!tpu.dma_semaphore, #tpu.memory_space<semaphore_mem>> -> memref<1x!tpu.dma_semaphore, #tpu.memory_space<semaphore_mem>>
    %dma_wait3A_74 = tpu.memref_squeeze %dma_wait3A_73 : memref<1x!tpu.dma_semaphore, #tpu.memory_space<semaphore_mem>> -> memref<!tpu.dma_semaphore, #tpu.memory_space<semaphore_mem>>
    %dma_wait3A_75 = arith.constant 0 : i32
    %dma_wait3A_76 = tpu.memref_slice %arg4[%mul3A_2, %dma_wait3A_75] : memref<204800x128xf32, #tpu.memory_space<hbm>> -> memref<128x128xf32, #tpu.memory_space<hbm>>
    %dma_wait3A_77 = arith.constant 0 : i32
    %dma_wait3A_78 = arith.constant 0 : i32
    %dma_wait3A_79 = tpu.memref_slice %arg6[%dma_wait3A, %dma_wait3A_77, %dma_wait3A_78] : memref<5x128x128xf32, #tpu.memory_space<vmem>> -> memref<1x128x128xf32, #tpu.memory_space<vmem>>
    %dma_wait3A_80 = tpu.memref_squeeze %dma_wait3A_79 : memref<1x128x128xf32, #tpu.memory_space<vmem>> -> memref<128x128xf32, #tpu.memory_space<vmem>>
    tpu.wait_dma2 semaphore(%dma_wait3A_74 : memref<!tpu.dma_semaphore, #tpu.memory_space<semaphore_mem>>) src(%dma_wait3A_80 : memref<128x128xf32, #tpu.memory_space<vmem>>) dst(%dma_wait3A_76 : memref<128x128xf32, #tpu.memory_space<hbm>>)
    return
  }
}

</mosaic_0001>

<sc_bundles>
// kernel: _embedding_gather.3.cloned.1.call-start
scs
__scs_entry_jumppad:
0x0: {  	(pc) =	sbr.rel $0x88, $3  }
0x1: {  	(tag) =	ssettag $0x0;
	lr =	simm.s32 $0x1  }
0x2: {  	[smem:$0x3F9F] =	sst lr;
	_ =	strace $0xD0000000  }
0x3: {  	_ = 	snop  }
0x4: {  	_ = 	snop  }
0x5: {  	_ = 	snop  }
0x6: {  	_ = 	snop  }
0x7: {  	_ = 	snop  }
__scs_overlays_trampoline_lowered:
0x8: {  	[smem:$0x3FAE] =	sst s0  }
0x9: {  	[smem:$0x3FAF] =	sst s1  }
0xa: {  	[smem:$0x3FB0] =	sst s2  }
0xb: {  	[smem:$0x3FB1] =	sst s3  }
0xc: {  	[smem:$0x3FB2] =	sst s4  }
0xd: {  	[smem:$0x3FB3] =	sst s5  }
0xe: {  	[smem:$0x3FB4] =	sst s6  }
0xf: {  	[smem:$0x3FB5] =	sst s7  }
0x10: {  	[smem:$0x3FB6] =	sst s8  }
0x11: {  	[smem:$0x3FB7] =	sst s9;
	s0 =	simm.s32 @!p0 $0x0  }
0x12: {  	s1 =	sld [smem:$0x3F9D];
	s0 =	simm.s32 @p0 $0x1  }
0x13: {  	[smem:$0x3FB8] =	sst s0;
	s0 =	simm.s32 @!p1 $0x0  }
0x14: {  	s2 =	sld [smem:$0x3F9C];
	s0 =	simm.s32 @p1 $0x1  }
0x15: {  	[smem:$0x3FB9] =	sst s0;
	s0 =	simm.s32 @!p2 $0x0  }
0x16: {  	s3 =	sld [smem:$0x3FDB];
	s0 =	simm.s32 @p2 $0x1  }
0x17: {  	s4 =	simm.s32 $0x1BF5;
	[smem:$0x3FBB] =	sst s0  }
0x18: {  	s0 =	sld [smem:$0x3F9E];
	_ =	swait.ge [sflag:s4], $0x0  }
0x19: {  	s7 =	sld [smem:$0x3F9F]  }
0x1a: {  	s8 =	sadd.s32 $0xFFFFE003, lr  }
0x1b: {  	s9 =	sadd.s32 $0xFFFFFEF7, lr;
	s5 =	simm.s32 $0xFFFFFFFF;
	p2 =	slt.u32 s8, $0xFFFFF086  }
0x1c: {  	p1 =	slt.u32 s9, $0xF7A;
	s5 =	simm.s32 @!p2 $0x0  }
0x1d: {  	s5 =	simm.s32 @p1 $0x1;
	p0 =	seq.s32 s7, s2  }
0x1e: {  	s7 =	smul.u32 @!p0 $0xF7A, s2;
	p2 =	seq.s32 @!p0 s5, $0x0  }
0x1f: {  	s9 =	smul.u32 $0xF7A, s1;
	s8 =	simm.s32 @!p0 $0x1BF5;
	p2 =	por !p2, p0  }
0x20: {  	[sflag:s8] =	ssyncset.s32 @!p0 $0xFFFFF086;
	s6 =	sadd.s32 @!p0 s3, s7;
	s7 =	simm.s32 @!p0 $0x108  }
0x21: {  	s3 =	sadd.s32 s3, s9;
	s6 =	sadd.s32 @!p0 $0x88, s6;
	s7 =	simm.s32 @p2 $0x1082  }
0x22: {  	[simem:s7], [sflag:s8] =	dma.local @!p0 [hbm:s6], $0xF7A  }
0x23: {  	s9 =	sor.u32 $0xD0000000, s2;
	s6 =	simm.s32 $0x108;
	_ =	swait.ge @!p0 [sflag:s8], $0x0  }
0x24: {  	s3 =	sadd.s32 $0x88, s3;
	s6 =	simm.s32 @!p1 $0x1082;
	[sflag:s4] =	ssyncset.s32 $0xFFFFF086  }
0x25: {  	[simem:s6], [sflag:s4] =	dma.local [hbm:s3], $0xF7A  }
0x26: {  	[smem:$0x3F9F] =	sst s1;
	(tag) =	ssettag s2;
	_ =	strace s9  }
0x27: {  	s1 =	sld [smem:$0x3FAF]  }
0x28: {  	s2 =	sld [smem:$0x3FB0]  }
0x29: {  	s4 =	sld [smem:$0x3FB2]  }
0x2a: {  	p0 =	seq.s32 s5, $0x0;
	s5 =	sld [smem:$0x3FB3]  }
0x2b: {  	s6 =	sld [smem:$0x3FB4]  }
0x2c: {  	s7 =	sld [smem:$0x3FB5]  }
0x2d: {  	s3 =	simm.s32 $0x108;
	s8 =	sld [smem:$0x3FB6]  }
0x2e: {  	s3 =	simm.s32 @!p0 $0x1082;
	s9 =	sld [smem:$0x3FB7]  }
0x2f: {  	lr =	sadd.s32 s0, s3;
	s0 =	sld [smem:$0x3FAE]  }
0x30: {  	s3 =	sld [smem:$0x3FB1]  }
0x31: {  	[smem:$0x3FBA] =	sst s10  }
0x32: {  	s10 =	sld [smem:$0x3FB8];
	_ =	sdelay $0x3  }
0x33: {  	p0 =	seq.s32 s10, $0x1;
	s10 =	sld [smem:$0x3FBA];
	_ =	sdelay $0x3  }
0x34: {  	[smem:$0x3FBA] =	sst s10  }
0x35: {  	s10 =	sld [smem:$0x3FB9];
	_ =	sdelay $0x3  }
0x36: {  	p1 =	seq.s32 s10, $0x1;
	s10 =	sld [smem:$0x3FBA];
	_ =	sdelay $0x3  }
0x37: {  	[smem:$0x3FBA] =	sst s10  }
0x38: {  	s10 =	sld [smem:$0x3FBB]  }
0x39: {  	_ = 	snop;
	(pc) =	sbr.ind lr, $3  }
0x3a: {  	_ = 	snop  }
0x3b: {  	_ = 	snop  }
0x3c: {  	p2 =	seq.s32 s10, $0x1;
	s10 =	sld [smem:$0x3FBA]  }
0x3d: {  	_ =	shalt  }
0x3e: {  	_ =	shalt  }
0x3f: {  	_ =	shalt  }
0x40: {  	_ =	shalt  }
0x41: {  	_ =	shalt  }
0x42: {  	_ =	shalt  }
0x43: {  	_ =	shalt  }
0x44: {  	_ =	shalt  }
0x45: {  	_ =	shalt  }
0x46: {  	_ =	shalt  }
0x47: {  	_ =	shalt  }
0x48: {  	_ =	shalt  }
0x49: {  	_ =	shalt  }
0x4a: {  	_ =	shalt  }
0x4b: {  	_ =	shalt  }
0x4c: {  	_ =	shalt  }
0x4d: {  	_ =	shalt  }
0x4e: {  	_ =	shalt  }
0x4f: {  	_ =	shalt  }
0x50: {  	_ =	shalt  }
0x51: {  	_ =	shalt  }
0x52: {  	_ =	shalt  }
0x53: {  	_ =	shalt  }
0x54: {  	_ =	shalt  }
0x55: {  	_ =	shalt  }
0x56: {  	_ =	shalt  }
0x57: {  	_ =	shalt  }
0x58: {  	_ =	shalt  }
0x59: {  	_ =	shalt  }
0x5a: {  	_ =	shalt  }
0x5b: {  	_ =	shalt  }
0x5c: {  	_ =	shalt  }
0x5d: {  	_ =	shalt  }
0x5e: {  	_ =	shalt  }
0x5f: {  	_ =	shalt  }
0x60: {  	_ =	shalt  }
0x61: {  	_ =	shalt  }
0x62: {  	_ =	shalt  }
0x63: {  	_ =	shalt  }
0x64: {  	_ =	shalt  }
0x65: {  	_ =	shalt  }
0x66: {  	_ =	shalt  }
0x67: {  	_ =	shalt  }
0x68: {  	_ =	shalt  }
0x69: {  	_ =	shalt  }
0x6a: {  	_ =	shalt  }
0x6b: {  	_ =	shalt  }
0x6c: {  	_ =	shalt  }
0x6d: {  	_ =	shalt  }
0x6e: {  	_ =	shalt  }
0x6f: {  	_ =	shalt  }
0x70: {  	_ =	shalt  }
0x71: {  	_ =	shalt  }
0x72: {  	_ =	shalt  }
0x73: {  	_ =	shalt  }
0x74: {  	_ =	shalt  }
0x75: {  	_ =	shalt  }
0x76: {  	_ =	shalt  }
0x77: {  	_ =	shalt  }
0x78: {  	_ =	shalt  }
0x79: {  	_ =	shalt  }
0x7a: {  	_ =	shalt  }
0x7b: {  	_ =	shalt  }
0x7c: {  	_ =	shalt  }
0x7d: {  	_ =	shalt  }
0x7e: {  	_ =	shalt  }
0x7f: {  	_ =	shalt  }
0x80: {  	_ =	shalt  }
0x81: {  	_ =	shalt  }
0x82: {  	_ =	shalt  }
0x83: {  	_ =	shalt  }
0x84: {  	_ =	shalt  }
0x85: {  	_ =	shalt  }
0x86: {  	_ =	shalt  }
0x87: {  	_ =	shalt  }
.Lfunc_end0:
.L_simem_size_0:
called_computation_lowered:
.L_overlay_start_0:
0x88: {  	s2 =	sld [smem:$0x3FD9]  }
0x89: {  	s3 =	sld [smem:$0x3FFE];
	_ =	sdelay $0x1  }
0x8a: {  	s1 =	srdreg.scid  }
0x8b: {  	s0 =	sand.u32 $0x1, s1  }
0x8c: {  	s17 =	sshll.u32 s0, $0xA;
	s2 =	sadd.s32 s3, s2  }
0x8d: {  	s2 =	sadd.s32 s2, s17  }
0x8e: {  	[smem:$0x3FC6] =	sst s2  }
0x8f: {  	_ = 	snop  }
0x90: {  	s2 =	sld [smem:$0x3FC8]  }
0x91: {  	s18 =	sld [smem:$0x3FD0];
	(tm) =	ssettm $0x1  }
0x92: {  	s4 =	sld [smem:$0x3FFB];
	_ =	sdelay $0x3  }
0x93: {  	_ =	strace s4  }
0x94: {  	s4 =	sld [smem:$0x3FFC];
	_ =	sdelay $0x3  }
0x95: {  	_ =	strace s4  }
0x96: {  	s4 =	sld [smem:$0x3FFD];
	_ =	sdelay $0x3  }
0x97: {  	_ =	strace s4  }
0x98: {  	_ =	strace $0x8FFFFFFF  }
0x99: {  	s19 =	sld [smem:$0x3FDB];
	_ =	sdelay $0x1  }
0x9a: {  	s5 =	simm.s32 $_scs_section_size  }
0x9b: {  	s6 =	simm.s32 $_size__tile_overlayer_lowered;
	s7 =	simm.s32 $_tile_overlayer_lowered  }
0x9c: {  	s22 =	simm.s32 $0x1BFF;
	s21 =	sshll.u32 s7, $0x1;
	s4 =	sadd.s32 s5, s19  }
0x9d: {  	s8 =	simm.s32 $0x0;
	s20 =	sshll.u32 s6, $0x1;
	s6 =	sadd.s32 s21, s4  }
0x9e: {  	[timem:s8], [sflag:s22] =	dma.local [hbm:s6], s20  }
0x9f: {  	_ =	swait.ge [sflag:s22], s20  }
0xa0: {  	s5 =	ssub.s32 $0x0, s20;
	[sflag:s22] =	ssyncset.done $0x0  }
0xa1: {  	[sflag:s22] =	ssyncadd.s32 s5;
	_ =	sdelay $0x1  }
0xa2: {  	s23 =	simm.s32 $0x1B8B  }
0xa3: {  	_ =	swait.ge [sflag:s23], $0x1  }
0xa4: {  	[sflag:s23] =	ssyncset.done $0x0  }
0xa5: {  	s25 =	simm.s32 $0x1B8E;
	s24 =	sld [smem:$0x3FFE];
	[sflag:s23] =	ssyncadd.s32 $0xFFFFFFFF  }
0xa6: {  	s26 =	simm.s32 $execute0_lowered;
	[smem:$0x3FD2] =	sst s25  }
0xa7: {  	s6 =	sshll.u32 s26, $0x1;
	_ =	strace $0x80000046;
	[dreg:$0x1] =	wrdreg $0xFFFFFFFF  }
0xa8: {  	s28 =	simm.s32 $_size_execute0_lowered;
	s4 =	sadd.s32 s4, s6;
	[dreg:$0x0] =	wrdreg $0x0  }
0xa9: {  	s6 =	sshll.u32 s28, $0x1;
	[dreg:$0x2] =	wrdreg s4  }
0xaa: {  	[dreg:$0x3] =	wrdreg s6  }
0xab: {  	[dreg:$0x4] =	wrdreg $0xC0  }
0xac: {  	_ =	task [dreg:s8], $0x5FFFF  }
0xad: {  	[dreg:$0x1] =	wrdreg $0xFFFFFFFF  }
0xae: {  	[dreg:$0x0] =	wrdreg $0x60  }
0xaf: {  	[dreg:$0x2] =	wrdreg s24  }
0xb0: {  	[dreg:$0x3] =	wrdreg s2  }
0xb1: {  	[dreg:$0x4] =	wrdreg s18  }
0xb2: {  	[dreg:$0x5] =	wrdreg $0x9  }
0xb3: {  	_ =	task.clear_ibuf [dreg:s8], $0x6FFFF;
	_ =	strace $0x90000046  }
0xb4: {  	s29 =	simm.s32 $0x9;
	_ =	strace $0x80000048  }
0xb5: {  	_ =	swait.ge [sflag:s29], $0x1  }
0xb6: {  	[sflag:s29] =	ssyncadd.s32 $0xFFFFFFFF  }
0xb7: {  	_ =	strace $0x90000048  }
0xb8: {  	_ =	sfence  }
0xb9: {  	s30 =	sld [smem:$0x0];
	_ =	sdelay $0x2  }
0xba: {  	s31 =	sshll.u32 s1, $0xD;
	s1 =	sshrl.u32 s1, $0x2  }
0xbb: {  	s3 =	sand.u32 $0x4000, s31;
	s1 =	sadd.s32 s1, s30  }
0xbc: {  	s0 =	sor.u32 s3, s0;
	s1 =	sshll.u32 s1, $0x11  }
0xbd: {  	s0 =	sor.u32 s1, s0  }
0xbe: {  	s0 =	sadd.s32 $0x8F2B, s0  }
0xbf: {  	[sflag:s0] =	ssyncadd.remote.s32 $0x1  }
0xc0: {  	_ =	sfence.sel $0xFFFF  }
0xc1: {  	[dreg:$0x0] =	wrdreg $0xFFFFFFFF;
	(pc) =	sbr.abs _section_cstart, $3  }
0xc2: {  	[dreg:$0x1] =	wrdreg $0xFFFFFFFF  }
0xc3: {  	_ =	task.clear_ibuf [dreg:s8], $0x2FFFF;
	_ =	strace $0x9FFFFFFF  }
0xc4: {  	(tm) =	ssettm $0x7FFFFFFF  }
0xc5: {  	_ =	shalt  }
tec
execute0_lowered:
.L_overlay_start_1:
0x0: {  	(tag) =	ssettag $0x1  }
0x1: {  	s1 =	rddreg [dreg:$0x0]  }
0x2: {  	s0 =	srdreg.scid;
	s2 =	rddreg [dreg:$0x1]  }
0x3: {  	s9 =	stileid.u32;
	s4 =	rddreg [dreg:$0x2];
	s11 =	simm.s32 $0xB  }
0x4: {  	s12 =	simm.s32 $0x80;
	s13 =	simm.s32 $0x1C00;
	s14 =	simm.s32 $0x5C00  }
0x5: {  	s16 =	simm.s32 $0x9C00;
	s18 =	simm.s32 $0xDC00;
	s28 =	simm.s32 $0x5  }
0x6: {  	s29 =	simm.s32 $0x9;
	s30 =	simm.s32 $0xA;
	s6 =	smul.u32 $0x190000, s9  }
0x7: {  	s0 =	sand.u32 $0x1, s0;
	s3 =	sshll.u32 s9, $0x1;
	s23 =	smul.u32 $0x32000, s9  }
0x8: {  	s31 =	simm.s32 $0x0;
	s3 =	sor.u32 s0, s3;
	s7 =	smul.u32 $0xC8000, s0  }
0x9: {  	s8 =	ssub.s32 $0x2, s0;
	s5 =	smul.u32 $0x380, s3;
	s3 =	simm.s32 $0x0  }
0xa: {  	s0 =	smul.u32 $0x19000, s0;
	s19 =	sshrl.u32 s8, $0x1;
	[smem:$0x7FF] =	sst s3  }
0xb: {  	s6 =	sadd.s32 s7, s6;
	_ =	strace $0x80000047;
	s1 =	sadd.s32 s5, s1  }
0xc: {  	s5 =	ssub.s32 s8, s19;
	s20 =	sadd.s32 $0xC000, s6;
	s21 =	sadd.s32 $0x8000, s6  }
0xd: {  	s24 =	sor.u32 $0x4000, s6;
	s6 =	sadd.s32 $0x10000, s6;
	s19 =	simm.s32 $0x1  }
0xe: {  	s1 =	sadd.s32 $0x400, s1;
	s5 =	smax.u32 s5, $0x1;
	s22 =	sshrl.u32 s21, $0x3  }
0xf: {  	s25 =	sshrl.u32 s6, $0x3;
	s21 =	simm.s32 $0x2;
	[dreg:$0x4] =	wrdreg s1  }
0x10: {  	[dreg:$0x5] =	wrdreg s5;
	s1 =	sshrl.u32 s20, $0x3;
	s5 =	sadd.s32 s23, s4  }
0x11: {  	s26 =	sadd.s32 s25, s4;
	s20 =	simm.s32 $0x11C00;
	s23 =	simm.s32 $0x3  }
.Ltmp0:
0x12: {  	s1 =	sadd.s32 s1, s4;
	[dreg:$0xa] =	wrdreg s26;
	(pc) =	sbr.rel .LBB2_1-.Ltmp0, $4  }
0x13: {  	s25 =	simm.s32 $0x4;
	[dreg:$0x6] =	wrdreg s1;
	s1 =	sadd.s32 s22, s4  }
0x14: {  	s0 =	sadd.s32 s0, s5;
	[dreg:$0x7] =	wrdreg s1;
	s1 =	sshrl.u32 s24, $0x3  }
0x15: {  	s26 =	simm.s32 $0x8;
	[dreg:$0x9] =	wrdreg s0;
	s1 =	sadd.s32 s1, s4  }
0x16: {  	s22 =	simm.s32 $0x6;
	s24 =	simm.s32 $0x7;
	[dreg:$0x8] =	wrdreg s1  }
.LBB2_4:
0x17: {  	_ =	swait.ge [sflag:s30], $0x4000  }
0x18: {  	s31 =	sadd.s32 $0x1, s31;
	s0 =	rddreg [dreg:$0x5]  }
0x19: {  	p0 =	sne.s32 s31, s0  }
.Ltmp1:
0x1a: {  	_ = 	snop;
	(pc) =	sbr.rel @!p0 .LBB2_5-.Ltmp1, $3  }
0x1b: {  	_ =	sdelay $0x1  }
0x1c: {  	[sflag:s30] =	ssyncset.done $0x0  }
0x1d: {  	[sflag:s30] =	ssyncadd.s32 $0xFFFFC000  }
.LBB2_1:
0x1e: {  	s0 =	rddreg [dreg:$0x4]  }
0x1f: {  	[tilespmem:s3], [sflag:$0xB] =	stream.linear.gather [hbm4b:s0+s3], $0x1900, $0x38;
	[tilespmem:$0x15C00] =	vst v63  }
0x20: {  	_ =	swait.ge [sflag:s11], $0x1900  }
0x21: {  	[sflag:s11] =	ssyncset.done $0x0;
	s10 =	rddreg [dreg:$0xa]  }
0x22: {  	s9 =	rddreg [dreg:$0x9];
	[sflag:s11] =	ssyncadd.s32 $0xFFFFE700  }
0x23: {  	[tilespmem:s13], [sflag:$0x1] =	stream.indirect.gather [hbm4b:s2+s12], $0x80, s3, s12, $0xb8;
	[tilespmem:$0x15C00] =	vst v63  }
0x24: {  	s8 =	rddreg [dreg:$0x8]  }
0x25: {  	[tilespmem:s14], [sflag:$0x2] =	stream.indirect.gather [hbm4b:s2+s12], $0x80, s12, s12, $0xb8;
	[tilespmem:$0x15C00] =	vst v63  }
0x26: {  	s15 =	simm.s32 $0x100;
	s7 =	rddreg [dreg:$0x7]  }
0x27: {  	[tilespmem:s16], [sflag:$0x3] =	stream.indirect.gather [hbm4b:s2+s12], $0x80, s15, s12, $0xb8;
	[tilespmem:$0x15C00] =	vst v63  }
0x28: {  	s17 =	simm.s32 $0x180;
	s5 =	simm.s32 $0x0;
	s6 =	rddreg [dreg:$0x6]  }
0x29: {  	[tilespmem:s18], [sflag:$0x4] =	stream.indirect.gather [hbm4b:s2+s12], $0x80, s17, s12, $0xb8;
	[tilespmem:$0x15C00] =	vst v63  }
.LBB2_2:
0x2a: {  	_ =	swait.ge [sflag:s19], $0x4000  }
0x2b: {  	p0 =	seq.s32 s5, $0x0;
	[sflag:s19] =	ssyncset.done $0x0  }
0x2c: {  	s17 =	simm.s32 @!p0 $0xA;
	[sflag:s19] =	ssyncadd.s32 $0xFFFFC000  }
0x2d: {  	[hbm4b:s9+s3] =	stream.linear.scatter [tilespmem:s13], [sflag:$0x6], $0x4000, $0x38;
	[tilespmem:$0x15C00] =	vst v63  }
0x2e: {  	_ =	swait.ge @!p0 [sflag:s17], $0x4000  }
0x2f: {  	s4 =	sshra.s32 s5, $0x2;
	[sflag:s17] =	ssyncset.done @!p0 $0x0  }
0x30: {  	s15 =	sadd.s32 $0x200, s4;
	[sflag:s17] =	ssyncadd.s32 @!p0 $0xFFFFC000  }
0x31: {  	[tilespmem:s20], [sflag:$0x5] =	stream.indirect.gather [hbm4b:s2+s12], $0x80, s15, s12, $0xb8;
	[tilespmem:$0x15C00] =	vst v63  }
0x32: {  	_ =	swait.ge [sflag:s21], $0x4000  }
0x33: {  	[sflag:s21] =	ssyncset.done $0x0  }
0x34: {  	[sflag:s21] =	ssyncadd.s32 $0xFFFFC000  }
0x35: {  	[hbm4b:s8+s3] =	stream.linear.scatter [tilespmem:s14], [sflag:$0x7], $0x4000, $0x38;
	[tilespmem:$0x15C00] =	vst v63  }
0x36: {  	p0 =	seq.s32 s5, $0x5A00;
	_ =	swait.ge [sflag:s22], $0x4000  }
0x37: {  	s17 =	sshra.s32 @!p0 s5, $0x2;
	s0 =	simm.s32 @!p0 $0x80;
	[sflag:s22] =	ssyncset.done $0x0  }
0x38: {  	s1 =	simm.s32 @!p0 $0x1C00;
	s15 =	sadd.s32 @!p0 $0x280, s17;
	[sflag:s22] =	ssyncadd.s32 $0xFFFFC000  }
0x39: {  	[tilespmem:s1], [sflag:$0x1] =	stream.indirect.gather @!p0 [hbm4b:s2+s0], $0x80, s15, s0, $0xb8;
	[tilespmem:$0x15C00] =	vst v63  }
0x3a: {  	_ =	swait.ge [sflag:s23], $0x4000  }
0x3b: {  	[sflag:s23] =	ssyncset.done $0x0  }
0x3c: {  	[sflag:s23] =	ssyncadd.s32 $0xFFFFC000  }
0x3d: {  	[hbm4b:s7+s3] =	stream.linear.scatter [tilespmem:s16], [sflag:$0x8], $0x4000, $0x38;
	[tilespmem:$0x15C00] =	vst v63  }
0x3e: {  	_ =	swait.ge [sflag:s24], $0x4000  }
0x3f: {  	[sflag:s24] =	ssyncset.done $0x0  }
0x40: {  	s1 =	sadd.s32 @!p0 $0x300, s17;
	s15 =	simm.s32 @!p0 $0x5C00;
	[sflag:s24] =	ssyncadd.s32 $0xFFFFC000  }
0x41: {  	[tilespmem:s15], [sflag:$0x2] =	stream.indirect.gather @!p0 [hbm4b:s2+s0], $0x80, s1, s0, $0xb8;
	[tilespmem:$0x15C00] =	vst v63  }
0x42: {  	_ =	swait.ge [sflag:s25], $0x4000  }
0x43: {  	[sflag:s25] =	ssyncset.done $0x0  }
0x44: {  	[sflag:s25] =	ssyncadd.s32 $0xFFFFC000  }
0x45: {  	[hbm4b:s6+s3] =	stream.linear.scatter [tilespmem:s18], [sflag:$0x9], $0x4000, $0x38;
	[tilespmem:$0x15C00] =	vst v63  }
0x46: {  	_ =	swait.ge [sflag:s26], $0x4000  }
0x47: {  	[sflag:s26] =	ssyncset.done $0x0  }
0x48: {  	s1 =	sadd.s32 @!p0 $0x380, s17;
	s15 =	simm.s32 @!p0 $0x9C00;
	[sflag:s26] =	ssyncadd.s32 $0xFFFFC000  }
0x49: {  	[tilespmem:s15], [sflag:$0x3] =	stream.indirect.gather @!p0 [hbm4b:s2+s0], $0x80, s1, s0, $0xb8;
	[tilespmem:$0x15C00] =	vst v63  }
0x4a: {  	_ =	swait.ge [sflag:s28], $0x4000  }
0x4b: {  	[sflag:s28] =	ssyncset.done $0x0  }
.Ltmp2:
0x4c: {  	[sflag:s28] =	ssyncadd.s32 $0xFFFFC000;
	(pc) =	sbr.rel @p0 .LBB2_4-.Ltmp2, $4  }
0x4d: {  	[hbm4b:s10+s3] =	stream.linear.scatter [tilespmem:s20], [sflag:$0xA], $0x4000, $0x38;
	[tilespmem:$0x15C00] =	vst v63  }
0x4e: {  	_ =	swait.ge [sflag:s29], $0x4000  }
0x4f: {  	[sflag:s29] =	ssyncset.done $0x0  }
0x50: {  	[sflag:s29] =	ssyncadd.s32 $0xFFFFC000  }
.Ltmp3:
0x51: {  	(pc) =	sbr.rel .LBB2_2-.Ltmp3, $4  }
0x52: {  	s0 =	sadd.s32 $0x400, s4  }
0x53: {  	s5 =	sadd.s32 $0xA00, s5;
	s6 =	sadd.s32 $0x2800, s6;
	s7 =	sadd.s32 $0x2800, s7  }
0x54: {  	s8 =	sadd.s32 $0x2800, s8;
	s9 =	sadd.s32 $0x2800, s9;
	s10 =	sadd.s32 $0x2800, s10  }
0x55: {  	[tilespmem:s18], [sflag:$0x4] =	stream.indirect.gather [hbm4b:s2+s12], $0x80, s0, s12, $0xb8;
	[tilespmem:$0x15C00] =	vst v63  }
.LBB2_5:
0x56: {  	_ =	sfence.sel $0x180000  }
0x57: {  	[bflag:$0x0] =	sbarrier.arrive $0xFFFF  }
0x58: {  	_ =	strace $0x90000047  }
0x59: {  	s0 =	stileid.u32;
	[bflag:$0x2] =	sbarrier.arrive $0xFFFF  }
0x5a: {  	p0 =	sne.s32 s0, $0x0;
	s0 =	rddreg [dreg:$0x3]  }
0x5b: {  	s0 =	sadd.s32 @!p0 $0x100000, s0  }
0x5c: {  	[sflag:s0] =	ssyncadd.tile.s32 @!p0 $0x1;
	_ =	shalt  }
.Lfunc_end2:
_tile_overlayer_lowered:
.L_overlay_start_2:
0x5d: {  	(tag) =	ssettag $0x2  }
0x5e: {  	s0 =	rddreg [dreg:$0x0];
	s2 =	stileid.u32  }
0x5f: {  	s1 =	rddreg [dreg:$0x1];
	p0 =	sne.s32 s2, $0x0  }
0x60: {  	s3 =	rddreg [dreg:$0x2];
	[bflag:$0x3] =	sbarrier.arrive $0xFFFF;
	s2 =	simm.s32 @!p0 $0x1C0B  }
0x61: {  	[timem:s3], [sflag:s2] =	dma.local @!p0 [hbm:s0], s1  }
0x62: {  	s0 =	simm.s32 @!p0 $0xB  }
0x63: {  	_ =	swait.ge @!p0 [sflag:s0], s1  }
0x64: {  	s1 =	ssub.s32 @!p0 $0x0, s1;
	[sflag:s0] =	ssyncset.done @!p0 $0x0  }
0x65: {  	[sflag:s0] =	ssyncadd.s32 @!p0 s1  }
0x66: {  	[bflag:$0x3] =	sbarrier.arrive $0xFFFF  }
0x67: {  	_ =	shalt  }

</sc_bundles>
